<compile_context>
chip_gen: v7x
topology: tpu7x:2x2x1
jax: 0.10.2.dev20260603
libtpu: 0.0.44.dev20260713+nightly
codegen_flags: <defaults>
</compile_context>

<pallas_src>
import jax
import jax.numpy as jnp
from jax import lax
from jax.experimental import pallas as pl
from jax.experimental.pallas import tpu as pltpu
from jax.experimental.pallas import tpu_sc as plsc

N = 10000
E = 320000
IN_F = 128
HD = 128
H = 8
DH = 16
RW = HD + DH
NC = 2
NS = 16
NW = NC * NS
EPW = E // NW
C = 80
NCHUNK = EPW // C
RPT = 624
TAIL = N - NS * RPT
NSLOT = 3
NIDX = 5


def _tc1_body(vert_ref, w_ref, asrc_ref, adst_ref, g2_ref, q_ref):
    v = vert_ref[...]
    g = jnp.dot(v, w_ref[...], preferred_element_type=jnp.float32)
    hrow = lax.broadcasted_iota(jnp.int32, (HD, H), 0) // DH
    hcol = lax.broadcasted_iota(jnp.int32, (HD, H), 1)
    mask = (hrow == hcol).astype(jnp.float32)
    ssrc = jnp.dot(g * asrc_ref[...], mask,
                   preferred_element_type=jnp.float32)
    sdst = jnp.dot(g * adst_ref[...], mask,
                   preferred_element_type=jnp.float32)
    zero8 = jnp.zeros_like(ssrc)
    g2_ref[...] = jnp.concatenate([g, ssrc, zero8], axis=1)
    q_ref[...] = jnp.concatenate([sdst, zero8], axis=1)


def _tc1(vert, w2, a_src, a_dst):
    return pl.pallas_call(
        _tc1_body,
        out_shape=[
            jax.ShapeDtypeStruct((N, RW), jnp.float32),
            jax.ShapeDtypeStruct((N, DH), jnp.float32),
        ],
    )(vert, w2, a_src, a_dst)


def _sc_body(src_hbm, dst_hbm, g2_hbm, q_hbm, u2_out,
             shared_u2, src_idx, dst_idx, q_buf, row_buf,
             sem_g, sem_q, sem_s, sem_i):
    c = lax.axis_index("c")
    s = lax.axis_index("s")
    wid = c * NS + s

    def _z(i, carry):
        row_buf[0, i // (RW // DH), pl.ds((i % (RW // DH)) * DH, DH)] = (
            jnp.zeros((DH,), jnp.float32))
        return carry
    lax.fori_loop(0, C * (RW // DH), _z, 0)

    def _zspm(j, carry):
        pltpu.async_copy(row_buf.at[0],
                         shared_u2.at[pl.ds(s * RPT + j * C, C)], sem_s)
        return carry
    lax.fori_loop(0, 7, _zspm, 0)
    pltpu.async_copy(row_buf.at[0, pl.ds(0, RPT - 7 * C)],
                     shared_u2.at[pl.ds(s * RPT + 7 * C, RPT - 7 * C)],
                     sem_s)

    @pl.when(s == 0)
    def _ztail():
        pltpu.sync_copy(row_buf.at[0, pl.ds(0, TAIL)],
                        shared_u2.at[pl.ds(NS * RPT, TAIL)])

    def _zwait(j, carry):
        pltpu.make_async_copy(
            row_buf.at[0],
            shared_u2.at[pl.ds(s * RPT + j * C, C)], sem_s).wait()
        return carry
    lax.fori_loop(0, 7, _zwait, 0)
    pltpu.make_async_copy(row_buf.at[0, pl.ds(0, RPT - 7 * C)],
                          shared_u2.at[pl.ds(s * RPT + 7 * C, RPT - 7 * C)],
                          sem_s).wait()
    plsc.subcore_barrier()

    ebase = wid * EPW

    def _issue_idx(islot, j):
        base = ebase + j * C
        pltpu.async_copy(src_hbm.at[pl.ds(base, C)], src_idx.at[islot],
                         sem_i)
        pltpu.async_copy(dst_hbm.at[pl.ds(base, C)], dst_idx.at[islot],
                         sem_i)

    def _wait_idx(islot, j):
        base = ebase + j * C
        pltpu.make_async_copy(src_hbm.at[pl.ds(base, C)],
                              src_idx.at[islot], sem_i).wait()
        pltpu.make_async_copy(dst_hbm.at[pl.ds(base, C)],
                              dst_idx.at[islot], sem_i).wait()

    def _issue_gathers(slot, islot):
        pltpu.async_copy(g2_hbm.at[src_idx.at[islot]], row_buf.at[slot],
                         sem_g)
        pltpu.async_copy(q_hbm.at[dst_idx.at[islot]], q_buf.at[slot],
                         sem_q)

    def _wait_gathers(slot, islot):
        pltpu.make_async_copy(g2_hbm.at[src_idx.at[islot]],
                              row_buf.at[slot], sem_g).wait()
        pltpu.make_async_copy(q_hbm.at[dst_idx.at[islot]],
                              q_buf.at[slot], sem_q).wait()

    def _wait_scatter(slot, islot):
        pltpu.make_async_copy(row_buf.at[slot],
                              shared_u2.at[dst_idx.at[islot]], sem_s).wait()

    _issue_idx(0, 0)
    _wait_idx(0, 0)
    _issue_idx(1, 1)
    _issue_gathers(0, 0)

    def _chunk(j, carry):
        cur = lax.rem(j, NSLOT)
        pre = lax.rem(j + 1, NSLOT)
        icur = lax.rem(j, NIDX)
        inxt = lax.rem(j + 1, NIDX)
        ipre = lax.rem(j + 2, NIDX)

        @pl.when(j + 2 < NCHUNK)
        def _():
            _issue_idx(ipre, j + 2)

        @pl.when(j >= 2)
        def _():
            _wait_scatter(pre, lax.rem(j - 2, NIDX))

        @pl.when(j + 1 < NCHUNK)
        def _():
            _wait_idx(inxt, j + 1)
            _issue_gathers(pre, inxt)

        _wait_gathers(cur, icur)

        @plsc.parallel_loop(0, C, step=1, unroll=4)
        def _edge(e):
            t = row_buf[cur, e, pl.ds(HD, DH)] + q_buf[cur, e, :]
            t = jnp.where(t > 0.0, t, 0.2 * t)
            w = jnp.exp(t)
            for h in range(H):
                blk = row_buf[cur, e, pl.ds(h * DH, DH)]
                row_buf[cur, e, pl.ds(h * DH, DH)] = blk * w[h]
            row_buf[cur, e, pl.ds(HD, DH)] = w

        pltpu.async_copy(row_buf.at[cur], shared_u2.at[dst_idx.at[icur]],
                         sem_s, add=True)
        return carry
    lax.fori_loop(0, NCHUNK, _chunk, 0)
    _wait_scatter((NCHUNK - 2) % NSLOT, (NCHUNK - 2) % NIDX)
    _wait_scatter((NCHUNK - 1) % NSLOT, (NCHUNK - 1) % NIDX)
    plsc.subcore_barrier()

    pltpu.sync_copy(shared_u2.at[pl.ds(s * RPT, RPT)],
                    u2_out.at[c, pl.ds(s * RPT, RPT)])

    @pl.when(s == 0)
    def _dtail():
        pltpu.sync_copy(shared_u2.at[pl.ds(NS * RPT, TAIL)],
                        u2_out.at[c, pl.ds(NS * RPT, TAIL)])


def _sc(src, dst, g2, q):
    mesh = plsc.VectorSubcoreMesh(core_axis_name="c", subcore_axis_name="s")
    fn = pl.kernel(
        _sc_body,
        out_type=jax.ShapeDtypeStruct((NC, N, RW), jnp.float32),
        mesh=mesh,
        compiler_params=pltpu.CompilerParams(use_tc_tiling_on_sc=False),
        scratch_types=[
            pltpu.VMEM_SHARED((N, RW), jnp.float32),
            pltpu.VMEM((NIDX, C), jnp.int32),
            pltpu.VMEM((NIDX, C), jnp.int32),
            pltpu.VMEM((NSLOT, C, DH), jnp.float32),
            pltpu.VMEM((NSLOT, C, RW), jnp.float32),
            pltpu.SemaphoreType.DMA,
            pltpu.SemaphoreType.DMA,
            pltpu.SemaphoreType.DMA,
            pltpu.SemaphoreType.DMA,
        ],
    )
    return fn(src, dst, g2, q)


def _tc2_body(u2_ref, o_ref):
    u = u2_ref[0, :, :HD] + u2_ref[1, :, :HD]
    d = u2_ref[0, :, HD:HD + H] + u2_ref[1, :, HD:HD + H]
    brow = lax.broadcasted_iota(jnp.int32, (H, HD), 0)
    bcol = lax.broadcasted_iota(jnp.int32, (H, HD), 1) // DH
    bmat = (brow == bcol).astype(jnp.float32)
    dfull = jnp.dot(d, bmat, preferred_element_type=jnp.float32)
    x = u / (dfull + 1e-16)
    o_ref[...] = jnp.where(x > 0.0, x, jnp.exp(jnp.minimum(x, 0.0)) - 1.0)


def _tc2(u2_part):
    return pl.pallas_call(
        _tc2_body,
        out_shape=jax.ShapeDtypeStruct((N, HD), jnp.float32),
    )(u2_part)


def kernel(vert, edge, W, a_src, a_dst):
    w2 = W.reshape(IN_F, HD)
    src = edge[0]
    dst = edge[1]
    g2, q = _tc1(vert, w2, a_src.reshape(1, HD), a_dst.reshape(1, HD))
    u2_part = _sc(src, dst, g2, q)
    return _tc2(u2_part)

# --- scband reference (transcript-rebuilt; emitter-appended) ---
"""Pipeline reference for scband-decode-cora-91010357002485 (READ-ONLY COPY).

The authoritative reference and input builder live on the scoring server;
editing this copy changes nothing except your own understanding.
"""

import jax, jax.numpy as jnp
import numpy as np

N = 10000
E = 320000
IN_F = 128
N_HIDDEN = 128
N_HEADS = 8
D_HEAD = N_HIDDEN // N_HEADS  # 16


def setup_inputs(seed: int = 0) -> dict:
    key = jax.random.key(seed)
    k1, k2, k3, k4, k5 = jax.random.split(key, 5)
    vert = jax.random.normal(k1, (N, IN_F), dtype=jnp.float32)
    edge = jax.random.randint(k2, (2, E), 0, N, dtype=jnp.int32)
    # learned params of AffinityLayer_Edge (multi-head GAT-style affinity layer)
    W = jax.random.normal(k3, (IN_F, N_HEADS, D_HEAD), dtype=jnp.float32) * 0.1
    a_src = jax.random.normal(k4, (N_HEADS, D_HEAD), dtype=jnp.float32) * 0.1
    a_dst = jax.random.normal(k5, (N_HEADS, D_HEAD), dtype=jnp.float32) * 0.1
    return {"vert": vert, "edge": edge, "W": W, "a_src": a_src, "a_dst": a_dst}


def reference(vert, edge, W, a_src, a_dst):
    # AffinityLayer_Edge: per-head linear projection + edge-wise attention
    g = jnp.einsum('nf,fhd->nhd', vert, W)            # [N, H, Dh]
    src = edge[0]
    dst = edge[1]
    g_src = jnp.take(g, src, axis=0)                  # [E, H, Dh] gather
    g_dst = jnp.take(g, dst, axis=0)                  # [E, H, Dh] gather
    e = (g_src * a_src[None]).sum(-1) + (g_dst * a_dst[None]).sum(-1)  # [E, H]
    e = jax.nn.leaky_relu(e, negative_slope=0.2)
    # segment softmax over incoming edges of each destination node
    e_max = jax.ops.segment_max(e, dst, num_segments=N)
    e_max = jnp.where(jnp.isfinite(e_max), e_max, 0.0)
    ex = jnp.exp(e - jnp.take(e_max, dst, axis=0))
    denom = jax.ops.segment_sum(ex, dst, num_segments=N)
    alpha = ex / (jnp.take(denom, dst, axis=0) + 1e-16)               # [E, H]
    msg = alpha[:, :, None] * g_src                   # [E, H, Dh]
    out = jax.ops.segment_sum(msg, dst, num_segments=N)  # [N, H, Dh] scatter-add
    out = out.reshape(N, N_HEADS * D_HEAD)            # is_concat=True -> [N, 128]
    # Decode_Cora: ELU activation; dropout is identity in eval mode
    return jax.nn.elu(out)

if __name__ == "__main__":
    import jax
    _d = setup_inputs()
    print(jax.jit(kernel)(*tuple(_d.values())))

</pallas_src>

<mosaic_0001>
#map = affine_map<(d0, d1) -> (0)>
#map1 = affine_map<(d0, d1) -> (0, 0)>
#map2 = affine_map<(d0, d1) -> (0, 0, 0)>
module attributes {stable_mosaic.version = 14 : i64} {
  func.func @_sc_body(%arg0: i32, %arg1: i32, %arg2: memref<320000xi32, #tpu.memory_space<hbm>>, %arg3: memref<320000xi32, #tpu.memory_space<hbm>>, %arg4: memref<10000x144xf32, #tpu.memory_space<hbm>>, %arg5: memref<10000x16xf32, #tpu.memory_space<hbm>>, %arg6: memref<2x10000x144xf32, #tpu.memory_space<hbm>>, %arg7: memref<10000x144xf32, #tpu.memory_space<vmem_shared>>, %arg8: memref<5x80xi32, #tpu.memory_space<vmem>>, %arg9: memref<5x80xi32, #tpu.memory_space<vmem>>, %arg10: memref<3x80x16xf32, #tpu.memory_space<vmem>>, %arg11: memref<3x80x144xf32, #tpu.memory_space<vmem>>, %arg12: memref<!tpu.dma_semaphore, #tpu.memory_space<semaphore_mem>>, %arg13: memref<!tpu.dma_semaphore, #tpu.memory_space<semaphore_mem>>, %arg14: memref<!tpu.dma_semaphore, #tpu.memory_space<semaphore_mem>>, %arg15: memref<!tpu.dma_semaphore, #tpu.memory_space<semaphore_mem>>) attributes {dimension_semantics = [#tpu.dimension_semantics<core_parallel>, #tpu.dimension_semantics<subcore_parallel>], iteration_bounds = array<i64: 2, 16>, scalar_prefetch = 0 : i64, scratch_operands = 9 : i64, tpu.core_type = #tpu.core_type<sc_vector_subcore>, window_params = [{transform_indices = #map}, {transform_indices = #map}, {transform_indices = #map1}, {transform_indices = #map1}, {transform_indices = #map2}]} {
    %mul3A = arith.constant 16 : i32
    %mul3A_0 = arith.muli %arg0, %mul3A : i32
    %add3A = arith.addi %mul3A_0, %arg1 : i32
    %scan3A = arith.constant 0 : i32
    %scan3A_1 = arith.constant 0 : i32
    %scan3A_2 = arith.constant 720 : i32
    %scan3A_3 = arith.addi %scan3A_1, %scan3A_2 : i32
    %scan3A_4 = arith.constant 1 : i32
    scf.for %scan3A_178 = %scan3A_1 to %scan3A_3 step %scan3A_4  : i32 {
      %broadcast_in_dim3A = arith.constant 0.000000e+00 : f32
      %broadcast_in_dim3A_179 = vector.broadcast %broadcast_in_dim3A : f32 to vector<16xf32>
      %jit3A = arith.constant 9 : i32
      %div3A = arith.divsi %scan3A_178, %jit3A : i32
      %sign3A = arith.constant 0 : i32
      %sign3A_180 = arith.cmpi sgt, %scan3A_178, %sign3A : i32
      %sign3A_181 = arith.extui %sign3A_180 : i1 to i32
      %sign3A_182 = arith.constant 0 : i32
      %sign3A_183 = arith.cmpi slt, %scan3A_178, %sign3A_182 : i32
      %sign3A_184 = arith.extui %sign3A_183 : i1 to i32
      %sign3A_185 = arith.subi %sign3A_181, %sign3A_184 : i32
      %sign3A_186 = arith.constant 0 : i32
      %sign3A_187 = arith.cmpi sgt, %jit3A, %sign3A_186 : i32
      %sign3A_188 = arith.extui %sign3A_187 : i1 to i32
      %sign3A_189 = arith.constant 0 : i32
      %sign3A_190 = arith.cmpi slt, %jit3A, %sign3A_189 : i32
      %sign3A_191 = arith.extui %sign3A_190 : i1 to i32
      %sign3A_192 = arith.subi %sign3A_188, %sign3A_191 : i32
      %ne3A = arith.cmpi ne, %sign3A_185, %sign3A_192 : i32
      %rem3A = arith.remsi %scan3A_178, %jit3A : i32
      %ne3A_193 = arith.constant 0 : i32
      %ne3A_194 = arith.cmpi ne, %rem3A, %ne3A_193 : i32
      %and3A = arith.andi %ne3A, %ne3A_194 : i1
      %sub3A = arith.constant 1 : i32
      %sub3A_195 = arith.subi %div3A, %sub3A : i32
      %select_n3A = arith.select %and3A, %sub3A_195, %div3A : i32
      %jit3A_196 = arith.constant 9 : i32
      %eq3A_197 = arith.constant 0 : i32
      %eq3A_198 = arith.cmpi eq, %jit3A_196, %eq3A_197 : i32
      %jit3A_199 = arith.constant 1 : i32
      %select_n3A_200 = arith.select %eq3A_198, %jit3A_199, %jit3A_196 : i32
      %rem3A_201 = arith.remsi %scan3A_178, %select_n3A_200 : i32
      %ne3A_202 = arith.constant 0 : i32
      %ne3A_203 = arith.cmpi ne, %rem3A_201, %ne3A_202 : i32
      %lt3A = arith.constant 0 : i32
      %lt3A_204 = arith.cmpi slt, %rem3A_201, %lt3A : i32
      %lt3A_205 = arith.constant 0 : i32
      %lt3A_206 = arith.cmpi slt, %select_n3A_200, %lt3A_205 : i32
      %ne3A_207 = arith.xori %lt3A_204, %lt3A_206 : i1
      %and3A_208 = arith.andi %ne3A_207, %ne3A_203 : i1
      %add3A_209 = arith.addi %rem3A_201, %select_n3A_200 : i32
      %select_n3A_210 = arith.select %and3A_208, %add3A_209, %rem3A_201 : i32
      %mul3A_211 = arith.constant 16 : i32
      %mul3A_212 = arith.muli %select_n3A_210, %mul3A_211 : i32
      %swap3A = arith.constant 0 : i32
      %swap3A_213 = arith.index_cast %swap3A : i32 to index
      %swap3A_214 = arith.index_cast %select_n3A : i32 to index
      %swap3A_215 = arith.index_cast %mul3A_212 : i32 to index
      %swap3A_216 = tpu.vector_load %arg11[%swap3A_213, %swap3A_214, %swap3A_215] {strides = array<i32>} : memref<3x80x144xf32, #tpu.memory_space<vmem>>, vector<1x1x16xf32>,
      %swap3A_217 = vector.shape_cast %swap3A_216 : vector<1x1x16xf32> to vector<16xf32>
      %swap3A_218 = vector.shape_cast %broadcast_in_dim3A_179 : vector<16xf32> to vector<1x1x16xf32>
      tpu.vector_store %arg11[%swap3A_213, %swap3A_214, %swap3A_215], %swap3A_218 {strides = array<i32>} : memref<3x80x144xf32, #tpu.memory_space<vmem>>, vector<1x1x16xf32>,
    }
    %scan3A_5 = arith.constant 720 : i32
    %scan3A_6 = arith.constant 0 : i32
    %scan3A_7 = arith.constant 0 : i32
    %scan3A_8 = arith.constant 7 : i32
    %scan3A_9 = arith.addi %scan3A_7, %scan3A_8 : i32
    %scan3A_10 = arith.constant 1 : i32
    scf.for %scan3A_178 = %scan3A_7 to %scan3A_9 step %scan3A_10  : i32 {
      %mul3A_179 = arith.constant 624 : i32
      %mul3A_180 = arith.muli %arg1, %mul3A_179 : i32
      %mul3A_181 = arith.constant 80 : i32
      %mul3A_182 = arith.muli %scan3A_178, %mul3A_181 : i32
      %add3A_183 = arith.addi %mul3A_180, %mul3A_182 : i32
      %dma_start3A_184 = arith.constant 0 : i32
      %dma_start3A_185 = arith.constant 0 : i32
      %dma_start3A_186 = arith.constant 0 : i32
      %dma_start3A_187 = tpu.memref_slice %arg11[%dma_start3A_184, %dma_start3A_185, %dma_start3A_186] : memref<3x80x144xf32, #tpu.memory_space<vmem>> -> memref<1x80x144xf32, #tpu.memory_space<vmem>>
      %dma_start3A_188 = tpu.memref_squeeze %dma_start3A_187 : memref<1x80x144xf32, #tpu.memory_space<vmem>> -> memref<80x144xf32, #tpu.memory_space<vmem>>
      %dma_start3A_189 = arith.constant 0 : i32
      %dma_start3A_190 = tpu.memref_slice %arg7[%add3A_183, %dma_start3A_189] : memref<10000x144xf32, #tpu.memory_space<vmem_shared>> -> memref<80x144xf32, #tpu.memory_space<vmem_shared>>
      %dma_start3A_191 = arith.constant 0 : i32
      %dma_start3A_192 = tpu.memref_slice %arg7[%add3A_183, %dma_start3A_191] : memref<10000x144xf32, #tpu.memory_space<vmem_shared>> -> memref<80x144xf32, #tpu.memory_space<vmem_shared>>
      %dma_start3A_193 = arith.constant 0 : i32
      %dma_start3A_194 = arith.constant 0 : i32
      %dma_start3A_195 = tpu.memref_slice %arg11[%dma_start3A_184, %dma_start3A_193, %dma_start3A_194] : memref<3x80x144xf32, #tpu.memory_space<vmem>> -> memref<1x80x144xf32, #tpu.memory_space<vmem>>
      %dma_start3A_196 = tpu.memref_squeeze %dma_start3A_195 : memref<1x80x144xf32, #tpu.memory_space<vmem>> -> memref<80x144xf32, #tpu.memory_space<vmem>>
      tpu.enqueue_dma source(%dma_start3A_196 : memref<80x144xf32, #tpu.memory_space<vmem>>) target(%dma_start3A_192 : memref<80x144xf32, #tpu.memory_space<vmem_shared>>) target_semaphore(%arg14 : memref<!tpu.dma_semaphore, #tpu.memory_space<semaphore_mem>>)
    }
    %scan3A_11 = arith.constant 7 : i32
    %mul3A_12 = arith.constant 624 : i32
    %mul3A_13 = arith.muli %arg1, %mul3A_12 : i32
    %add3A_14 = arith.constant 560 : i32
    %add3A_15 = arith.addi %mul3A_13, %add3A_14 : i32
    %dma_start3A = arith.constant 0 : i32
    %dma_start3A_16 = arith.constant 0 : i32
    %dma_start3A_17 = arith.constant 0 : i32
    %dma_start3A_18 = tpu.memref_slice %arg11[%dma_start3A, %dma_start3A_16, %dma_start3A_17] : memref<3x80x144xf32, #tpu.memory_space<vmem>> -> memref<1x64x144xf32, #tpu.memory_space<vmem>>
    %dma_start3A_19 = tpu.memref_squeeze %dma_start3A_18 : memref<1x64x144xf32, #tpu.memory_space<vmem>> -> memref<64x144xf32, #tpu.memory_space<vmem>>
    %dma_start3A_20 = arith.constant 0 : i32
    %dma_start3A_21 = tpu.memref_slice %arg7[%add3A_15, %dma_start3A_20] : memref<10000x144xf32, #tpu.memory_space<vmem_shared>> -> memref<64x144xf32, #tpu.memory_space<vmem_shared>>
    %dma_start3A_22 = arith.constant 0 : i32
    %dma_start3A_23 = tpu.memref_slice %arg7[%add3A_15, %dma_start3A_22] : memref<10000x144xf32, #tpu.memory_space<vmem_shared>> -> memref<64x144xf32, #tpu.memory_space<vmem_shared>>
    %dma_start3A_24 = arith.constant 0 : i32
    %dma_start3A_25 = arith.constant 0 : i32
    %dma_start3A_26 = tpu.memref_slice %arg11[%dma_start3A, %dma_start3A_24, %dma_start3A_25] : memref<3x80x144xf32, #tpu.memory_space<vmem>> -> memref<1x64x144xf32, #tpu.memory_space<vmem>>
    %dma_start3A_27 = tpu.memref_squeeze %dma_start3A_26 : memref<1x64x144xf32, #tpu.memory_space<vmem>> -> memref<64x144xf32, #tpu.memory_space<vmem>>
    tpu.enqueue_dma source(%dma_start3A_27 : memref<64x144xf32, #tpu.memory_space<vmem>>) target(%dma_start3A_23 : memref<64x144xf32, #tpu.memory_space<vmem_shared>>) target_semaphore(%arg14 : memref<!tpu.dma_semaphore, #tpu.memory_space<semaphore_mem>>)
    %eq3A = arith.constant 0 : i32
    %eq3A_28 = arith.cmpi eq, %arg1, %eq3A : i32
    %convert_element_type3A = arith.extui %eq3A_28 : i1 to i32
    %cond3A = arith.constant 0 : i32
    %cond3A_29 = arith.cmpi ne, %convert_element_type3A, %cond3A : i32
    scf.if %cond3A_29 {
      %run_scoped3A = arith.constant 0 : i32
      "tpu.region"() ({
        %run_scoped3A_178 = tpu.sem_alloc : memref<!tpu.dma_semaphore, #tpu.memory_space<semaphore_mem>>
        %dma_start3A_179 = arith.constant 0 : i32
        %dma_start3A_180 = arith.constant 0 : i32
        %dma_start3A_181 = tpu.memref_slice %arg11[%run_scoped3A, %dma_start3A_179, %dma_start3A_180] : memref<3x80x144xf32, #tpu.memory_space<vmem>> -> memref<1x16x144xf32, #tpu.memory_space<vmem>>
        %dma_start3A_182 = tpu.memref_squeeze %dma_start3A_181 : memref<1x16x144xf32, #tpu.memory_space<vmem>> -> memref<16x144xf32, #tpu.memory_space<vmem>>
        %dma_start3A_183 = arith.constant 9984 : i32
        %dma_start3A_184 = arith.constant 0 : i32
        %dma_start3A_185 = tpu.memref_slice %arg7[%dma_start3A_183, %dma_start3A_184] : memref<10000x144xf32, #tpu.memory_space<vmem_shared>> -> memref<16x144xf32, #tpu.memory_space<vmem_shared>>
        %dma_start3A_186 = arith.constant 9984 : i32
        %dma_start3A_187 = arith.constant 0 : i32
        %dma_start3A_188 = tpu.memref_slice %arg7[%dma_start3A_186, %dma_start3A_187] : memref<10000x144xf32, #tpu.memory_space<vmem_shared>> -> memref<16x144xf32, #tpu.memory_space<vmem_shared>>
        %dma_start3A_189 = arith.constant 0 : i32
        %dma_start3A_190 = arith.constant 0 : i32
        %dma_start3A_191 = tpu.memref_slice %arg11[%run_scoped3A, %dma_start3A_189, %dma_start3A_190] : memref<3x80x144xf32, #tpu.memory_space<vmem>> -> memref<1x16x144xf32, #tpu.memory_space<vmem>>
        %dma_start3A_192 = tpu.memref_squeeze %dma_start3A_191 : memref<1x16x144xf32, #tpu.memory_space<vmem>> -> memref<16x144xf32, #tpu.memory_space<vmem>>
        tpu.enqueue_dma source(%dma_start3A_192 : memref<16x144xf32, #tpu.memory_space<vmem>>) target(%dma_start3A_188 : memref<16x144xf32, #tpu.memory_space<vmem_shared>>) target_semaphore(%run_scoped3A_178 : memref<!tpu.dma_semaphore, #tpu.memory_space<semaphore_mem>>)
        %dma_wait3A_193 = arith.constant 0 : i32
        %dma_wait3A_194 = arith.constant 0 : i32
        %dma_wait3A_195 = tpu.memref_slice %arg11[%run_scoped3A, %dma_wait3A_193, %dma_wait3A_194] : memref<3x80x144xf32, #tpu.memory_space<vmem>> -> memref<1x16x144xf32, #tpu.memory_space<vmem>>
        %dma_wait3A_196 = tpu.memref_squeeze %dma_wait3A_195 : memref<1x16x144xf32, #tpu.memory_space<vmem>> -> memref<16x144xf32, #tpu.memory_space<vmem>>
        %dma_wait3A_197 = arith.constant 9984 : i32
        %dma_wait3A_198 = arith.constant 0 : i32
        %dma_wait3A_199 = tpu.memref_slice %arg7[%dma_wait3A_197, %dma_wait3A_198] : memref<10000x144xf32, #tpu.memory_space<vmem_shared>> -> memref<16x144xf32, #tpu.memory_space<vmem_shared>>
        %dma_wait3A_200 = arith.constant 9984 : i32
        %dma_wait3A_201 = arith.constant 0 : i32
        %dma_wait3A_202 = tpu.memref_slice %arg7[%dma_wait3A_200, %dma_wait3A_201] : memref<10000x144xf32, #tpu.memory_space<vmem_shared>> -> memref<16x144xf32, #tpu.memory_space<vmem_shared>>
        %dma_wait3A_203 = arith.constant 0 : i32
        %dma_wait3A_204 = arith.constant 0 : i32
        %dma_wait3A_205 = tpu.memref_slice %arg11[%run_scoped3A, %dma_wait3A_203, %dma_wait3A_204] : memref<3x80x144xf32, #tpu.memory_space<vmem>> -> memref<1x16x144xf32, #tpu.memory_space<vmem>>
        %dma_wait3A_206 = tpu.memref_squeeze %dma_wait3A_205 : memref<1x16x144xf32, #tpu.memory_space<vmem>> -> memref<16x144xf32, #tpu.memory_space<vmem>>
        tpu.wait_dma2 semaphore(%run_scoped3A_178 : memref<!tpu.dma_semaphore, #tpu.memory_space<semaphore_mem>>) src(%dma_wait3A_206 : memref<16x144xf32, #tpu.memory_space<vmem>>) dst(%dma_wait3A_202 : memref<16x144xf32, #tpu.memory_space<vmem_shared>>)
        tpu.yield
      }) : () -> ()
    } else {
    }
    %scan3A_30 = arith.constant 0 : i32
    %scan3A_31 = arith.constant 0 : i32
    %scan3A_32 = arith.constant 7 : i32
    %scan3A_33 = arith.addi %scan3A_31, %scan3A_32 : i32
    %scan3A_34 = arith.constant 1 : i32
    scf.for %scan3A_178 = %scan3A_31 to %scan3A_33 step %scan3A_34  : i32 {
      %mul3A_179 = arith.constant 624 : i32
      %mul3A_180 = arith.muli %arg1, %mul3A_179 : i32
      %mul3A_181 = arith.constant 80 : i32
      %mul3A_182 = arith.muli %scan3A_178, %mul3A_181 : i32
      %add3A_183 = arith.addi %mul3A_180, %mul3A_182 : i32
      %dma_wait3A_184 = arith.constant 0 : i32
      %dma_wait3A_185 = arith.constant 0 : i32
      %dma_wait3A_186 = arith.constant 0 : i32
      %dma_wait3A_187 = tpu.memref_slice %arg11[%dma_wait3A_184, %dma_wait3A_185, %dma_wait3A_186] : memref<3x80x144xf32, #tpu.memory_space<vmem>> -> memref<1x80x144xf32, #tpu.memory_space<vmem>>
      %dma_wait3A_188 = tpu.memref_squeeze %dma_wait3A_187 : memref<1x80x144xf32, #tpu.memory_space<vmem>> -> memref<80x144xf32, #tpu.memory_space<vmem>>
      %dma_wait3A_189 = arith.constant 0 : i32
      %dma_wait3A_190 = tpu.memref_slice %arg7[%add3A_183, %dma_wait3A_189] : memref<10000x144xf32, #tpu.memory_space<vmem_shared>> -> memref<80x144xf32, #tpu.memory_space<vmem_shared>>
      %dma_wait3A_191 = arith.constant 0 : i32
      %dma_wait3A_192 = tpu.memref_slice %arg7[%add3A_183, %dma_wait3A_191] : memref<10000x144xf32, #tpu.memory_space<vmem_shared>> -> memref<80x144xf32, #tpu.memory_space<vmem_shared>>
      %dma_wait3A_193 = arith.constant 0 : i32
      %dma_wait3A_194 = arith.constant 0 : i32
      %dma_wait3A_195 = tpu.memref_slice %arg11[%dma_wait3A_184, %dma_wait3A_193, %dma_wait3A_194] : memref<3x80x144xf32, #tpu.memory_space<vmem>> -> memref<1x80x144xf32, #tpu.memory_space<vmem>>
      %dma_wait3A_196 = tpu.memref_squeeze %dma_wait3A_195 : memref<1x80x144xf32, #tpu.memory_space<vmem>> -> memref<80x144xf32, #tpu.memory_space<vmem>>
      tpu.wait_dma2 semaphore(%arg14 : memref<!tpu.dma_semaphore, #tpu.memory_space<semaphore_mem>>) src(%dma_wait3A_196 : memref<80x144xf32, #tpu.memory_space<vmem>>) dst(%dma_wait3A_192 : memref<80x144xf32, #tpu.memory_space<vmem_shared>>)
    }
    %scan3A_35 = arith.constant 7 : i32
    %mul3A_36 = arith.constant 624 : i32
    %mul3A_37 = arith.muli %arg1, %mul3A_36 : i32
    %add3A_38 = arith.constant 560 : i32
    %add3A_39 = arith.addi %mul3A_37, %add3A_38 : i32
    %dma_wait3A = arith.constant 0 : i32
    %dma_wait3A_40 = arith.constant 0 : i32
    %dma_wait3A_41 = arith.constant 0 : i32
    %dma_wait3A_42 = tpu.memref_slice %arg11[%dma_wait3A, %dma_wait3A_40, %dma_wait3A_41] : memref<3x80x144xf32, #tpu.memory_space<vmem>> -> memref<1x64x144xf32, #tpu.memory_space<vmem>>
    %dma_wait3A_43 = tpu.memref_squeeze %dma_wait3A_42 : memref<1x64x144xf32, #tpu.memory_space<vmem>> -> memref<64x144xf32, #tpu.memory_space<vmem>>
    %dma_wait3A_44 = arith.constant 0 : i32
    %dma_wait3A_45 = tpu.memref_slice %arg7[%add3A_39, %dma_wait3A_44] : memref<10000x144xf32, #tpu.memory_space<vmem_shared>> -> memref<64x144xf32, #tpu.memory_space<vmem_shared>>
    %dma_wait3A_46 = arith.constant 0 : i32
    %dma_wait3A_47 = tpu.memref_slice %arg7[%add3A_39, %dma_wait3A_46] : memref<10000x144xf32, #tpu.memory_space<vmem_shared>> -> memref<64x144xf32, #tpu.memory_space<vmem_shared>>
    %dma_wait3A_48 = arith.constant 0 : i32
    %dma_wait3A_49 = arith.constant 0 : i32
    %dma_wait3A_50 = tpu.memref_slice %arg11[%dma_wait3A, %dma_wait3A_48, %dma_wait3A_49] : memref<3x80x144xf32, #tpu.memory_space<vmem>> -> memref<1x64x144xf32, #tpu.memory_space<vmem>>
    %dma_wait3A_51 = tpu.memref_squeeze %dma_wait3A_50 : memref<1x64x144xf32, #tpu.memory_space<vmem>> -> memref<64x144xf32, #tpu.memory_space<vmem>>
    tpu.wait_dma2 semaphore(%arg14 : memref<!tpu.dma_semaphore, #tpu.memory_space<semaphore_mem>>) src(%dma_wait3A_51 : memref<64x144xf32, #tpu.memory_space<vmem>>) dst(%dma_wait3A_47 : memref<64x144xf32, #tpu.memory_space<vmem_shared>>)
    %barrier3A = arith.constant 0 : index
    tpu.barrier barrier_id(%barrier3A)
    %mul3A_52 = arith.constant 10000 : i32
    %mul3A_53 = arith.muli %add3A, %mul3A_52 : i32
    %add3A_54 = arith.constant 0 : i32
    %add3A_55 = arith.addi %mul3A_53, %add3A_54 : i32
    %dma_start3A_56 = arith.constant 0 : i32
    %dma_start3A_57 = arith.constant 0 : i32
    %dma_start3A_58 = tpu.memref_slice %arg8[%dma_start3A_56, %dma_start3A_57] : memref<5x80xi32, #tpu.memory_space<vmem>> -> memref<1x80xi32, #tpu.memory_space<vmem>>
    %dma_start3A_59 = tpu.memref_squeeze %dma_start3A_58 : memref<1x80xi32, #tpu.memory_space<vmem>> -> memref<80xi32, #tpu.memory_space<vmem>>
    %dma_start3A_60 = tpu.memref_slice %arg2[%add3A_55] : memref<320000xi32, #tpu.memory_space<hbm>> -> memref<80xi32, #tpu.memory_space<hbm>>
    %dma_start3A_61 = arith.constant 0 : i32
    %dma_start3A_62 = tpu.memref_slice %arg8[%dma_start3A_56, %dma_start3A_61] : memref<5x80xi32, #tpu.memory_space<vmem>> -> memref<1x80xi32, #tpu.memory_space<vmem>>
    %dma_start3A_63 = tpu.memref_squeeze %dma_start3A_62 : memref<1x80xi32, #tpu.memory_space<vmem>> -> memref<80xi32, #tpu.memory_space<vmem>>
    %dma_start3A_64 = tpu.memref_slice %arg2[%add3A_55] : memref<320000xi32, #tpu.memory_space<hbm>> -> memref<80xi32, #tpu.memory_space<hbm>>
    tpu.enqueue_dma source(%dma_start3A_64 : memref<80xi32, #tpu.memory_space<hbm>>) target(%dma_start3A_63 : memref<80xi32, #tpu.memory_space<vmem>>) target_semaphore(%arg15 : memref<!tpu.dma_semaphore, #tpu.memory_space<semaphore_mem>>)
    %dma_start3A_65 = arith.constant 0 : i32
    %dma_start3A_66 = arith.constant 0 : i32
    %dma_start3A_67 = tpu.memref_slice %arg9[%dma_start3A_65, %dma_start3A_66] : memref<5x80xi32, #tpu.memory_space<vmem>> -> memref<1x80xi32, #tpu.memory_space<vmem>>
    %dma_start3A_68 = tpu.memref_squeeze %dma_start3A_67 : memref<1x80xi32, #tpu.memory_space<vmem>> -> memref<80xi32, #tpu.memory_space<vmem>>
    %dma_start3A_69 = tpu.memref_slice %arg3[%add3A_55] : memref<320000xi32, #tpu.memory_space<hbm>> -> memref<80xi32, #tpu.memory_space<hbm>>
    %dma_start3A_70 = arith.constant 0 : i32
    %dma_start3A_71 = tpu.memref_slice %arg9[%dma_start3A_65, %dma_start3A_70] : memref<5x80xi32, #tpu.memory_space<vmem>> -> memref<1x80xi32, #tpu.memory_space<vmem>>
    %dma_start3A_72 = tpu.memref_squeeze %dma_start3A_71 : memref<1x80xi32, #tpu.memory_space<vmem>> -> memref<80xi32, #tpu.memory_space<vmem>>
    %dma_start3A_73 = tpu.memref_slice %arg3[%add3A_55] : memref<320000xi32, #tpu.memory_space<hbm>> -> memref<80xi32, #tpu.memory_space<hbm>>
    tpu.enqueue_dma source(%dma_start3A_73 : memref<80xi32, #tpu.memory_space<hbm>>) target(%dma_start3A_72 : memref<80xi32, #tpu.memory_space<vmem>>) target_semaphore(%arg15 : memref<!tpu.dma_semaphore, #tpu.memory_space<semaphore_mem>>)
    %add3A_74 = arith.constant 0 : i32
    %add3A_75 = arith.addi %mul3A_53, %add3A_74 : i32
    %dma_wait3A_76 = arith.constant 0 : i32
    %dma_wait3A_77 = arith.constant 0 : i32
    %dma_wait3A_78 = tpu.memref_slice %arg8[%dma_wait3A_76, %dma_wait3A_77] : memref<5x80xi32, #tpu.memory_space<vmem>> -> memref<1x80xi32, #tpu.memory_space<vmem>>
    %dma_wait3A_79 = tpu.memref_squeeze %dma_wait3A_78 : memref<1x80xi32, #tpu.memory_space<vmem>> -> memref<80xi32, #tpu.memory_space<vmem>>
    %dma_wait3A_80 = tpu.memref_slice %arg2[%add3A_75] : memref<320000xi32, #tpu.memory_space<hbm>> -> memref<80xi32, #tpu.memory_space<hbm>>
    %dma_wait3A_81 = arith.constant 0 : i32
    %dma_wait3A_82 = tpu.memref_slice %arg8[%dma_wait3A_76, %dma_wait3A_81] : memref<5x80xi32, #tpu.memory_space<vmem>> -> memref<1x80xi32, #tpu.memory_space<vmem>>
    %dma_wait3A_83 = tpu.memref_squeeze %dma_wait3A_82 : memref<1x80xi32, #tpu.memory_space<vmem>> -> memref<80xi32, #tpu.memory_space<vmem>>
    %dma_wait3A_84 = tpu.memref_slice %arg2[%add3A_75] : memref<320000xi32, #tpu.memory_space<hbm>> -> memref<80xi32, #tpu.memory_space<hbm>>
    tpu.wait_dma2 semaphore(%arg15 : memref<!tpu.dma_semaphore, #tpu.memory_space<semaphore_mem>>) src(%dma_wait3A_84 : memref<80xi32, #tpu.memory_space<hbm>>) dst(%dma_wait3A_83 : memref<80xi32, #tpu.memory_space<vmem>>)
    %dma_wait3A_85 = arith.constant 0 : i32
    %dma_wait3A_86 = arith.constant 0 : i32
    %dma_wait3A_87 = tpu.memref_slice %arg9[%dma_wait3A_85, %dma_wait3A_86] : memref<5x80xi32, #tpu.memory_space<vmem>> -> memref<1x80xi32, #tpu.memory_space<vmem>>
    %dma_wait3A_88 = tpu.memref_squeeze %dma_wait3A_87 : memref<1x80xi32, #tpu.memory_space<vmem>> -> memref<80xi32, #tpu.memory_space<vmem>>
    %dma_wait3A_89 = tpu.memref_slice %arg3[%add3A_75] : memref<320000xi32, #tpu.memory_space<hbm>> -> memref<80xi32, #tpu.memory_space<hbm>>
    %dma_wait3A_90 = arith.constant 0 : i32
    %dma_wait3A_91 = tpu.memref_slice %arg9[%dma_wait3A_85, %dma_wait3A_90] : memref<5x80xi32, #tpu.memory_space<vmem>> -> memref<1x80xi32, #tpu.memory_space<vmem>>
    %dma_wait3A_92 = tpu.memref_squeeze %dma_wait3A_91 : memref<1x80xi32, #tpu.memory_space<vmem>> -> memref<80xi32, #tpu.memory_space<vmem>>
    %dma_wait3A_93 = tpu.memref_slice %arg3[%add3A_75] : memref<320000xi32, #tpu.memory_space<hbm>> -> memref<80xi32, #tpu.memory_space<hbm>>
    tpu.wait_dma2 semaphore(%arg15 : memref<!tpu.dma_semaphore, #tpu.memory_space<semaphore_mem>>) src(%dma_wait3A_93 : memref<80xi32, #tpu.memory_space<hbm>>) dst(%dma_wait3A_92 : memref<80xi32, #tpu.memory_space<vmem>>)
    %add3A_94 = arith.constant 80 : i32
    %add3A_95 = arith.addi %mul3A_53, %add3A_94 : i32
    %dma_start3A_96 = arith.constant 1 : i32
    %dma_start3A_97 = arith.constant 0 : i32
    %dma_start3A_98 = tpu.memref_slice %arg8[%dma_start3A_96, %dma_start3A_97] : memref<5x80xi32, #tpu.memory_space<vmem>> -> memref<1x80xi32, #tpu.memory_space<vmem>>
    %dma_start3A_99 = tpu.memref_squeeze %dma_start3A_98 : memref<1x80xi32, #tpu.memory_space<vmem>> -> memref<80xi32, #tpu.memory_space<vmem>>
    %dma_start3A_100 = tpu.memref_slice %arg2[%add3A_95] : memref<320000xi32, #tpu.memory_space<hbm>> -> memref<80xi32, #tpu.memory_space<hbm>>
    %dma_start3A_101 = arith.constant 0 : i32
    %dma_start3A_102 = tpu.memref_slice %arg8[%dma_start3A_96, %dma_start3A_101] : memref<5x80xi32, #tpu.memory_space<vmem>> -> memref<1x80xi32, #tpu.memory_space<vmem>>
    %dma_start3A_103 = tpu.memref_squeeze %dma_start3A_102 : memref<1x80xi32, #tpu.memory_space<vmem>> -> memref<80xi32, #tpu.memory_space<vmem>>
    %dma_start3A_104 = tpu.memref_slice %arg2[%add3A_95] : memref<320000xi32, #tpu.memory_space<hbm>> -> memref<80xi32, #tpu.memory_space<hbm>>
    tpu.enqueue_dma source(%dma_start3A_104 : memref<80xi32, #tpu.memory_space<hbm>>) target(%dma_start3A_103 : memref<80xi32, #tpu.memory_space<vmem>>) target_semaphore(%arg15 : memref<!tpu.dma_semaphore, #tpu.memory_space<semaphore_mem>>)
    %dma_start3A_105 = arith.constant 1 : i32
    %dma_start3A_106 = arith.constant 0 : i32
    %dma_start3A_107 = tpu.memref_slice %arg9[%dma_start3A_105, %dma_start3A_106] : memref<5x80xi32, #tpu.memory_space<vmem>> -> memref<1x80xi32, #tpu.memory_space<vmem>>
    %dma_start3A_108 = tpu.memref_squeeze %dma_start3A_107 : memref<1x80xi32, #tpu.memory_space<vmem>> -> memref<80xi32, #tpu.memory_space<vmem>>
    %dma_start3A_109 = tpu.memref_slice %arg3[%add3A_95] : memref<320000xi32, #tpu.memory_space<hbm>> -> memref<80xi32, #tpu.memory_space<hbm>>
    %dma_start3A_110 = arith.constant 0 : i32
    %dma_start3A_111 = tpu.memref_slice %arg9[%dma_start3A_105, %dma_start3A_110] : memref<5x80xi32, #tpu.memory_space<vmem>> -> memref<1x80xi32, #tpu.memory_space<vmem>>
    %dma_start3A_112 = tpu.memref_squeeze %dma_start3A_111 : memref<1x80xi32, #tpu.memory_space<vmem>> -> memref<80xi32, #tpu.memory_space<vmem>>
    %dma_start3A_113 = tpu.memref_slice %arg3[%add3A_95] : memref<320000xi32, #tpu.memory_space<hbm>> -> memref<80xi32, #tpu.memory_space<hbm>>
    tpu.enqueue_dma source(%dma_start3A_113 : memref<80xi32, #tpu.memory_space<hbm>>) target(%dma_start3A_112 : memref<80xi32, #tpu.memory_space<vmem>>) target_semaphore(%arg15 : memref<!tpu.dma_semaphore, #tpu.memory_space<semaphore_mem>>)
    %dma_start3A_114 = arith.constant 0 : i32
    %dma_start3A_115 = arith.constant 0 : i32
    %dma_start3A_116 = arith.constant 0 : i32
    %dma_start3A_117 = arith.constant 0 : i32
    %dma_start3A_118 = tpu.memref_slice %arg11[%dma_start3A_115, %dma_start3A_116, %dma_start3A_117] : memref<3x80x144xf32, #tpu.memory_space<vmem>> -> memref<1x80x144xf32, #tpu.memory_space<vmem>>
    %dma_start3A_119 = tpu.memref_squeeze %dma_start3A_118 : memref<1x80x144xf32, #tpu.memory_space<vmem>> -> memref<80x144xf32, #tpu.memory_space<vmem>>
    %dma_start3A_120 = arith.constant 0 : i32
    %dma_start3A_121 = tpu.memref_slice %arg8[%dma_start3A_114, %dma_start3A_120] : memref<5x80xi32, #tpu.memory_space<vmem>> -> memref<1x80xi32, #tpu.memory_space<vmem>>
    %dma_start3A_122 = tpu.memref_squeeze %dma_start3A_121 : memref<1x80xi32, #tpu.memory_space<vmem>> -> memref<80xi32, #tpu.memory_space<vmem>>
    %dma_start3A_123 = arith.constant 0 : i32
    %dma_start3A_124 = arith.constant 0 : i32
    %dma_start3A_125 = tpu.memref_slice %arg4[%dma_start3A_123, %dma_start3A_124] : memref<10000x144xf32, #tpu.memory_space<hbm>> -> memref<10000x144xf32, #tpu.memory_space<hbm>>
    tpu.enqueue_indirect_dma source(%dma_start3A_125 : memref<10000x144xf32, #tpu.memory_space<hbm>>) target(%dma_start3A_119 : memref<80x144xf32, #tpu.memory_space<vmem>>) offsets(%dma_start3A_122 : memref<80xi32, #tpu.memory_space<vmem>>) semaphore(%arg12 : memref<!tpu.dma_semaphore, #tpu.memory_space<semaphore_mem>>)
    %dma_start3A_126 = arith.constant 0 : i32
    %dma_start3A_127 = arith.constant 0 : i32
    %dma_start3A_128 = arith.constant 0 : i32
    %dma_start3A_129 = arith.constant 0 : i32
    %dma_start3A_130 = tpu.memref_slice %arg10[%dma_start3A_127, %dma_start3A_128, %dma_start3A_129] : memref<3x80x16xf32, #tpu.memory_space<vmem>> -> memref<1x80x16xf32, #tpu.memory_space<vmem>>
    %dma_start3A_131 = tpu.memref_squeeze %dma_start3A_130 : memref<1x80x16xf32, #tpu.memory_space<vmem>> -> memref<80x16xf32, #tpu.memory_space<vmem>>
    %dma_start3A_132 = arith.constant 0 : i32
    %dma_start3A_133 = tpu.memref_slice %arg9[%dma_start3A_126, %dma_start3A_132] : memref<5x80xi32, #tpu.memory_space<vmem>> -> memref<1x80xi32, #tpu.memory_space<vmem>>
    %dma_start3A_134 = tpu.memref_squeeze %dma_start3A_133 : memref<1x80xi32, #tpu.memory_space<vmem>> -> memref<80xi32, #tpu.memory_space<vmem>>
    %dma_start3A_135 = arith.constant 0 : i32
    %dma_start3A_136 = arith.constant 0 : i32
    %dma_start3A_137 = tpu.memref_slice %arg5[%dma_start3A_135, %dma_start3A_136] : memref<10000x16xf32, #tpu.memory_space<hbm>> -> memref<10000x16xf32, #tpu.memory_space<hbm>>
    tpu.enqueue_indirect_dma source(%dma_start3A_137 : memref<10000x16xf32, #tpu.memory_space<hbm>>) target(%dma_start3A_131 : memref<80x16xf32, #tpu.memory_space<vmem>>) offsets(%dma_start3A_134 : memref<80xi32, #tpu.memory_space<vmem>>) semaphore(%arg13 : memref<!tpu.dma_semaphore, #tpu.memory_space<semaphore_mem>>)
    %scan3A_138 = arith.constant 0 : i32
    %scan3A_139 = arith.constant 0 : i32
    %scan3A_140 = arith.constant 125 : i32
    %scan3A_141 = arith.addi %scan3A_139, %scan3A_140 : i32
    %scan3A_142 = arith.constant 1 : i32
    scf.for %scan3A_178 = %scan3A_139 to %scan3A_141 step %scan3A_142  : i32 {
      %rem3A = arith.constant 3 : i32
      %rem3A_179 = arith.remsi %scan3A_178, %rem3A : i32
      %add3A_180 = arith.constant 1 : i32
      %add3A_181 = arith.addi %scan3A_178, %add3A_180 : i32
      %rem3A_182 = arith.constant 3 : i32
      %rem3A_183 = arith.remsi %add3A_181, %rem3A_182 : i32
      %rem3A_184 = arith.constant 5 : i32
      %rem3A_185 = arith.remsi %scan3A_178, %rem3A_184 : i32
      %add3A_186 = arith.constant 1 : i32
      %add3A_187 = arith.addi %scan3A_178, %add3A_186 : i32
      %rem3A_188 = arith.constant 5 : i32
      %rem3A_189 = arith.remsi %add3A_187, %rem3A_188 : i32
      %add3A_190 = arith.constant 2 : i32
      %add3A_191 = arith.addi %scan3A_178, %add3A_190 : i32
      %rem3A_192 = arith.constant 5 : i32
      %rem3A_193 = arith.remsi %add3A_191, %rem3A_192 : i32
      %add3A_194 = arith.constant 2 : i32
      %add3A_195 = arith.addi %scan3A_178, %add3A_194 : i32
      %lt3A = arith.constant 125 : i32
      %lt3A_196 = arith.cmpi slt, %add3A_195, %lt3A : i32
      %convert_element_type3A_197 = arith.extui %lt3A_196 : i1 to i32
      %cond3A_198 = arith.constant 0 : i32
      %cond3A_199 = arith.cmpi ne, %convert_element_type3A_197, %cond3A_198 : i32
      scf.if %cond3A_199 {
        %add3A_243 = arith.constant 2 : i32
        %add3A_244 = arith.addi %scan3A_178, %add3A_243 : i32
        %mul3A_245 = arith.constant 80 : i32
        %mul3A_246 = arith.muli %add3A_244, %mul3A_245 : i32
        %add3A_247 = arith.addi %mul3A_53, %mul3A_246 : i32
        %dma_start3A_248 = arith.constant 0 : i32
        %dma_start3A_249 = tpu.memref_slice %arg8[%rem3A_193, %dma_start3A_248] : memref<5x80xi32, #tpu.memory_space<vmem>> -> memref<1x80xi32, #tpu.memory_space<vmem>>
        %dma_start3A_250 = tpu.memref_squeeze %dma_start3A_249 : memref<1x80xi32, #tpu.memory_space<vmem>> -> memref<80xi32, #tpu.memory_space<vmem>>
        %dma_start3A_251 = tpu.memref_slice %arg2[%add3A_247] : memref<320000xi32, #tpu.memory_space<hbm>> -> memref<80xi32, #tpu.memory_space<hbm>>
        %dma_start3A_252 = arith.constant 0 : i32
        %dma_start3A_253 = tpu.memref_slice %arg8[%rem3A_193, %dma_start3A_252] : memref<5x80xi32, #tpu.memory_space<vmem>> -> memref<1x80xi32, #tpu.memory_space<vmem>>
        %dma_start3A_254 = tpu.memref_squeeze %dma_start3A_253 : memref<1x80xi32, #tpu.memory_space<vmem>> -> memref<80xi32, #tpu.memory_space<vmem>>
        %dma_start3A_255 = tpu.memref_slice %arg2[%add3A_247] : memref<320000xi32, #tpu.memory_space<hbm>> -> memref<80xi32, #tpu.memory_space<hbm>>
        tpu.enqueue_dma source(%dma_start3A_255 : memref<80xi32, #tpu.memory_space<hbm>>) target(%dma_start3A_254 : memref<80xi32, #tpu.memory_space<vmem>>) target_semaphore(%arg15 : memref<!tpu.dma_semaphore, #tpu.memory_space<semaphore_mem>>)
        %dma_start3A_256 = arith.constant 0 : i32
        %dma_start3A_257 = tpu.memref_slice %arg9[%rem3A_193, %dma_start3A_256] : memref<5x80xi32, #tpu.memory_space<vmem>> -> memref<1x80xi32, #tpu.memory_space<vmem>>
        %dma_start3A_258 = tpu.memref_squeeze %dma_start3A_257 : memref<1x80xi32, #tpu.memory_space<vmem>> -> memref<80xi32, #tpu.memory_space<vmem>>
        %dma_start3A_259 = tpu.memref_slice %arg3[%add3A_247] : memref<320000xi32, #tpu.memory_space<hbm>> -> memref<80xi32, #tpu.memory_space<hbm>>
        %dma_start3A_260 = arith.constant 0 : i32
        %dma_start3A_261 = tpu.memref_slice %arg9[%rem3A_193, %dma_start3A_260] : memref<5x80xi32, #tpu.memory_space<vmem>> -> memref<1x80xi32, #tpu.memory_space<vmem>>
        %dma_start3A_262 = tpu.memref_squeeze %dma_start3A_261 : memref<1x80xi32, #tpu.memory_space<vmem>> -> memref<80xi32, #tpu.memory_space<vmem>>
        %dma_start3A_263 = tpu.memref_slice %arg3[%add3A_247] : memref<320000xi32, #tpu.memory_space<hbm>> -> memref<80xi32, #tpu.memory_space<hbm>>
        tpu.enqueue_dma source(%dma_start3A_263 : memref<80xi32, #tpu.memory_space<hbm>>) target(%dma_start3A_262 : memref<80xi32, #tpu.memory_space<vmem>>) target_semaphore(%arg15 : memref<!tpu.dma_semaphore, #tpu.memory_space<semaphore_mem>>)
      } else {
      }
      %ge3A = arith.constant 2 : i32
      %ge3A_200 = arith.cmpi sge, %scan3A_178, %ge3A : i32
      %convert_element_type3A_201 = arith.extui %ge3A_200 : i1 to i32
      %cond3A_202 = arith.constant 0 : i32
      %cond3A_203 = arith.cmpi ne, %convert_element_type3A_201, %cond3A_202 : i32
      scf.if %cond3A_203 {
        %sub3A = arith.constant 2 : i32
        %sub3A_243 = arith.subi %scan3A_178, %sub3A : i32
        %rem3A_244 = arith.constant 5 : i32
        %rem3A_245 = arith.remsi %sub3A_243, %rem3A_244 : i32
        %dma_wait3A_246 = arith.constant 0 : i32
        %dma_wait3A_247 = arith.constant 0 : i32
        %dma_wait3A_248 = tpu.memref_slice %arg11[%rem3A_183, %dma_wait3A_246, %dma_wait3A_247] : memref<3x80x144xf32, #tpu.memory_space<vmem>> -> memref<1x80x144xf32, #tpu.memory_space<vmem>>
        %dma_wait3A_249 = tpu.memref_squeeze %dma_wait3A_248 : memref<1x80x144xf32, #tpu.memory_space<vmem>> -> memref<80x144xf32, #tpu.memory_space<vmem>>
        %dma_wait3A_250 = arith.constant 0 : i32
        %dma_wait3A_251 = tpu.memref_slice %arg9[%rem3A_245, %dma_wait3A_250] : memref<5x80xi32, #tpu.memory_space<vmem>> -> memref<1x80xi32, #tpu.memory_space<vmem>>
        %dma_wait3A_252 = tpu.memref_squeeze %dma_wait3A_251 : memref<1x80xi32, #tpu.memory_space<vmem>> -> memref<80xi32, #tpu.memory_space<vmem>>
        %dma_wait3A_253 = arith.constant 0 : i32
        %dma_wait3A_254 = arith.constant 0 : i32
        %dma_wait3A_255 = tpu.memref_slice %arg7[%dma_wait3A_253, %dma_wait3A_254] : memref<10000x144xf32, #tpu.memory_space<vmem_shared>> -> memref<10000x144xf32, #tpu.memory_space<vmem_shared>>
        tpu.wait_indirect_dma semaphore(%arg14 : memref<!tpu.dma_semaphore, #tpu.memory_space<semaphore_mem>>) src(%dma_wait3A_249 : memref<80x144xf32, #tpu.memory_space<vmem>>) dst(%dma_wait3A_255 : memref<10000x144xf32, #tpu.memory_space<vmem_shared>>)
      } else {
      }
      %add3A_204 = arith.constant 1 : i32
      %add3A_205 = arith.addi %scan3A_178, %add3A_204 : i32
      %lt3A_206 = arith.constant 125 : i32
      %lt3A_207 = arith.cmpi slt, %add3A_205, %lt3A_206 : i32
      %convert_element_type3A_208 = arith.extui %lt3A_207 : i1 to i32
      %cond3A_209 = arith.constant 0 : i32
      %cond3A_210 = arith.cmpi ne, %convert_element_type3A_208, %cond3A_209 : i32
      scf.if %cond3A_210 {
        %add3A_243 = arith.constant 1 : i32
        %add3A_244 = arith.addi %scan3A_178, %add3A_243 : i32
        %mul3A_245 = arith.constant 80 : i32
        %mul3A_246 = arith.muli %add3A_244, %mul3A_245 : i32
        %add3A_247 = arith.addi %mul3A_53, %mul3A_246 : i32
        %dma_wait3A_248 = arith.constant 0 : i32
        %dma_wait3A_249 = tpu.memref_slice %arg8[%rem3A_189, %dma_wait3A_248] : memref<5x80xi32, #tpu.memory_space<vmem>> -> memref<1x80xi32, #tpu.memory_space<vmem>>
        %dma_wait3A_250 = tpu.memref_squeeze %dma_wait3A_249 : memref<1x80xi32, #tpu.memory_space<vmem>> -> memref<80xi32, #tpu.memory_space<vmem>>
        %dma_wait3A_251 = tpu.memref_slice %arg2[%add3A_247] : memref<320000xi32, #tpu.memory_space<hbm>> -> memref<80xi32, #tpu.memory_space<hbm>>
        %dma_wait3A_252 = arith.constant 0 : i32
        %dma_wait3A_253 = tpu.memref_slice %arg8[%rem3A_189, %dma_wait3A_252] : memref<5x80xi32, #tpu.memory_space<vmem>> -> memref<1x80xi32, #tpu.memory_space<vmem>>
        %dma_wait3A_254 = tpu.memref_squeeze %dma_wait3A_253 : memref<1x80xi32, #tpu.memory_space<vmem>> -> memref<80xi32, #tpu.memory_space<vmem>>
        %dma_wait3A_255 = tpu.memref_slice %arg2[%add3A_247] : memref<320000xi32, #tpu.memory_space<hbm>> -> memref<80xi32, #tpu.memory_space<hbm>>
        tpu.wait_dma2 semaphore(%arg15 : memref<!tpu.dma_semaphore, #tpu.memory_space<semaphore_mem>>) src(%dma_wait3A_255 : memref<80xi32, #tpu.memory_space<hbm>>) dst(%dma_wait3A_254 : memref<80xi32, #tpu.memory_space<vmem>>)
        %dma_wait3A_256 = arith.constant 0 : i32
        %dma_wait3A_257 = tpu.memref_slice %arg9[%rem3A_189, %dma_wait3A_256] : memref<5x80xi32, #tpu.memory_space<vmem>> -> memref<1x80xi32, #tpu.memory_space<vmem>>
        %dma_wait3A_258 = tpu.memref_squeeze %dma_wait3A_257 : memref<1x80xi32, #tpu.memory_space<vmem>> -> memref<80xi32, #tpu.memory_space<vmem>>
        %dma_wait3A_259 = tpu.memref_slice %arg3[%add3A_247] : memref<320000xi32, #tpu.memory_space<hbm>> -> memref<80xi32, #tpu.memory_space<hbm>>
        %dma_wait3A_260 = arith.constant 0 : i32
        %dma_wait3A_261 = tpu.memref_slice %arg9[%rem3A_189, %dma_wait3A_260] : memref<5x80xi32, #tpu.memory_space<vmem>> -> memref<1x80xi32, #tpu.memory_space<vmem>>
        %dma_wait3A_262 = tpu.memref_squeeze %dma_wait3A_261 : memref<1x80xi32, #tpu.memory_space<vmem>> -> memref<80xi32, #tpu.memory_space<vmem>>
        %dma_wait3A_263 = tpu.memref_slice %arg3[%add3A_247] : memref<320000xi32, #tpu.memory_space<hbm>> -> memref<80xi32, #tpu.memory_space<hbm>>
        tpu.wait_dma2 semaphore(%arg15 : memref<!tpu.dma_semaphore, #tpu.memory_space<semaphore_mem>>) src(%dma_wait3A_263 : memref<80xi32, #tpu.memory_space<hbm>>) dst(%dma_wait3A_262 : memref<80xi32, #tpu.memory_space<vmem>>)
        %dma_start3A_264 = arith.constant 0 : i32
        %dma_start3A_265 = arith.constant 0 : i32
        %dma_start3A_266 = tpu.memref_slice %arg11[%rem3A_183, %dma_start3A_264, %dma_start3A_265] : memref<3x80x144xf32, #tpu.memory_space<vmem>> -> memref<1x80x144xf32, #tpu.memory_space<vmem>>
        %dma_start3A_267 = tpu.memref_squeeze %dma_start3A_266 : memref<1x80x144xf32, #tpu.memory_space<vmem>> -> memref<80x144xf32, #tpu.memory_space<vmem>>
        %dma_start3A_268 = arith.constant 0 : i32
        %dma_start3A_269 = tpu.memref_slice %arg8[%rem3A_189, %dma_start3A_268] : memref<5x80xi32, #tpu.memory_space<vmem>> -> memref<1x80xi32, #tpu.memory_space<vmem>>
        %dma_start3A_270 = tpu.memref_squeeze %dma_start3A_269 : memref<1x80xi32, #tpu.memory_space<vmem>> -> memref<80xi32, #tpu.memory_space<vmem>>
        %dma_start3A_271 = arith.constant 0 : i32
        %dma_start3A_272 = arith.constant 0 : i32
        %dma_start3A_273 = tpu.memref_slice %arg4[%dma_start3A_271, %dma_start3A_272] : memref<10000x144xf32, #tpu.memory_space<hbm>> -> memref<10000x144xf32, #tpu.memory_space<hbm>>
        tpu.enqueue_indirect_dma source(%dma_start3A_273 : memref<10000x144xf32, #tpu.memory_space<hbm>>) target(%dma_start3A_267 : memref<80x144xf32, #tpu.memory_space<vmem>>) offsets(%dma_start3A_270 : memref<80xi32, #tpu.memory_space<vmem>>) semaphore(%arg12 : memref<!tpu.dma_semaphore, #tpu.memory_space<semaphore_mem>>)
        %dma_start3A_274 = arith.constant 0 : i32
        %dma_start3A_275 = arith.constant 0 : i32
        %dma_start3A_276 = tpu.memref_slice %arg10[%rem3A_183, %dma_start3A_274, %dma_start3A_275] : memref<3x80x16xf32, #tpu.memory_space<vmem>> -> memref<1x80x16xf32, #tpu.memory_space<vmem>>
        %dma_start3A_277 = tpu.memref_squeeze %dma_start3A_276 : memref<1x80x16xf32, #tpu.memory_space<vmem>> -> memref<80x16xf32, #tpu.memory_space<vmem>>
        %dma_start3A_278 = arith.constant 0 : i32
        %dma_start3A_279 = tpu.memref_slice %arg9[%rem3A_189, %dma_start3A_278] : memref<5x80xi32, #tpu.memory_space<vmem>> -> memref<1x80xi32, #tpu.memory_space<vmem>>
        %dma_start3A_280 = tpu.memref_squeeze %dma_start3A_279 : memref<1x80xi32, #tpu.memory_space<vmem>> -> memref<80xi32, #tpu.memory_space<vmem>>
        %dma_start3A_281 = arith.constant 0 : i32
        %dma_start3A_282 = arith.constant 0 : i32
        %dma_start3A_283 = tpu.memref_slice %arg5[%dma_start3A_281, %dma_start3A_282] : memref<10000x16xf32, #tpu.memory_space<hbm>> -> memref<10000x16xf32, #tpu.memory_space<hbm>>
        tpu.enqueue_indirect_dma source(%dma_start3A_283 : memref<10000x16xf32, #tpu.memory_space<hbm>>) target(%dma_start3A_277 : memref<80x16xf32, #tpu.memory_space<vmem>>) offsets(%dma_start3A_280 : memref<80xi32, #tpu.memory_space<vmem>>) semaphore(%arg13 : memref<!tpu.dma_semaphore, #tpu.memory_space<semaphore_mem>>)
      } else {
      }
      %dma_wait3A_211 = arith.constant 0 : i32
      %dma_wait3A_212 = arith.constant 0 : i32
      %dma_wait3A_213 = tpu.memref_slice %arg11[%rem3A_179, %dma_wait3A_211, %dma_wait3A_212] : memref<3x80x144xf32, #tpu.memory_space<vmem>> -> memref<1x80x144xf32, #tpu.memory_space<vmem>>
      %dma_wait3A_214 = tpu.memref_squeeze %dma_wait3A_213 : memref<1x80x144xf32, #tpu.memory_space<vmem>> -> memref<80x144xf32, #tpu.memory_space<vmem>>
      %dma_wait3A_215 = arith.constant 0 : i32
      %dma_wait3A_216 = tpu.memref_slice %arg8[%rem3A_185, %dma_wait3A_215] : memref<5x80xi32, #tpu.memory_space<vmem>> -> memref<1x80xi32, #tpu.memory_space<vmem>>
      %dma_wait3A_217 = tpu.memref_squeeze %dma_wait3A_216 : memref<1x80xi32, #tpu.memory_space<vmem>> -> memref<80xi32, #tpu.memory_space<vmem>>
      %dma_wait3A_218 = arith.constant 0 : i32
      %dma_wait3A_219 = arith.constant 0 : i32
      %dma_wait3A_220 = tpu.memref_slice %arg4[%dma_wait3A_218, %dma_wait3A_219] : memref<10000x144xf32, #tpu.memory_space<hbm>> -> memref<10000x144xf32, #tpu.memory_space<hbm>>
      tpu.wait_indirect_dma semaphore(%arg12 : memref<!tpu.dma_semaphore, #tpu.memory_space<semaphore_mem>>) src(%dma_wait3A_220 : memref<10000x144xf32, #tpu.memory_space<hbm>>) dst(%dma_wait3A_214 : memref<80x144xf32, #tpu.memory_space<vmem>>)
      %dma_wait3A_221 = arith.constant 0 : i32
      %dma_wait3A_222 = arith.constant 0 : i32
      %dma_wait3A_223 = tpu.memref_slice %arg10[%rem3A_179, %dma_wait3A_221, %dma_wait3A_222] : memref<3x80x16xf32, #tpu.memory_space<vmem>> -> memref<1x80x16xf32, #tpu.memory_space<vmem>>
      %dma_wait3A_224 = tpu.memref_squeeze %dma_wait3A_223 : memref<1x80x16xf32, #tpu.memory_space<vmem>> -> memref<80x16xf32, #tpu.memory_space<vmem>>
      %dma_wait3A_225 = arith.constant 0 : i32
      %dma_wait3A_226 = tpu.memref_slice %arg9[%rem3A_185, %dma_wait3A_225] : memref<5x80xi32, #tpu.memory_space<vmem>> -> memref<1x80xi32, #tpu.memory_space<vmem>>
      %dma_wait3A_227 = tpu.memref_squeeze %dma_wait3A_226 : memref<1x80xi32, #tpu.memory_space<vmem>> -> memref<80xi32, #tpu.memory_space<vmem>>
      %dma_wait3A_228 = arith.constant 0 : i32
      %dma_wait3A_229 = arith.constant 0 : i32
      %dma_wait3A_230 = tpu.memref_slice %arg5[%dma_wait3A_228, %dma_wait3A_229] : memref<10000x16xf32, #tpu.memory_space<hbm>> -> memref<10000x16xf32, #tpu.memory_space<hbm>>
      tpu.wait_indirect_dma semaphore(%arg13 : memref<!tpu.dma_semaphore, #tpu.memory_space<semaphore_mem>>) src(%dma_wait3A_230 : memref<10000x16xf32, #tpu.memory_space<hbm>>) dst(%dma_wait3A_224 : memref<80x16xf32, #tpu.memory_space<vmem>>)
      %parallel_loop3A = arith.constant 0 : i32
      %parallel_loop3A_231 = arith.constant 80 : i32
      %parallel_loop3A_232 = arith.constant 1 : i32
      scf.for %parallel_loop3A_243 = %parallel_loop3A to %parallel_loop3A_231 step %parallel_loop3A_232  : i32 {
        %parallel_loop3A_244 = arith.index_cast %rem3A_179 : i32 to index
        %parallel_loop3A_245 = arith.index_cast %parallel_loop3A_243 : i32 to index
        %parallel_loop3A_246 = arith.constant 128 : index
        %parallel_loop3A_247 = tpu.vector_load %arg11[%parallel_loop3A_244, %parallel_loop3A_245, %parallel_loop3A_246] {strides = array<i32>} : memref<3x80x144xf32, #tpu.memory_space<vmem>>, vector<1x1x16xf32>,
        %parallel_loop3A_248 = vector.shape_cast %parallel_loop3A_247 : vector<1x1x16xf32> to vector<16xf32>
        %parallel_loop3A_249 = arith.index_cast %rem3A_179 : i32 to index
        %parallel_loop3A_250 = arith.index_cast %parallel_loop3A_243 : i32 to index
        %parallel_loop3A_251 = arith.constant 0 : index
        %parallel_loop3A_252 = tpu.vector_load %arg10[%parallel_loop3A_249, %parallel_loop3A_250, %parallel_loop3A_251] {strides = array<i32>} : memref<3x80x16xf32, #tpu.memory_space<vmem>>, vector<1x1x16xf32>,
        %parallel_loop3A_253 = vector.shape_cast %parallel_loop3A_252 : vector<1x1x16xf32> to vector<16xf32>
        %parallel_loop3A_254 = arith.addf %parallel_loop3A_248, %parallel_loop3A_253 : vector<16xf32>
        %parallel_loop3A_255 = arith.constant 0.000000e+00 : f32
        %parallel_loop3A_256 = vector.broadcast %parallel_loop3A_255 : f32 to vector<16xf32>
        %parallel_loop3A_257 = arith.cmpf ogt, %parallel_loop3A_254, %parallel_loop3A_256 : vector<16xf32>
        %parallel_loop3A_258 = arith.constant 2.000000e-01 : f32
        %parallel_loop3A_259 = vector.broadcast %parallel_loop3A_258 : f32 to vector<16xf32>
        %parallel_loop3A_260 = arith.mulf %parallel_loop3A_259, %parallel_loop3A_254 : vector<16xf32>
        %parallel_loop3A_261 = arith.select %parallel_loop3A_257, %parallel_loop3A_254, %parallel_loop3A_260 : vector<16xi1>, vector<16xf32>
        %parallel_loop3A_262 = math.exp %parallel_loop3A_261 : vector<16xf32>
        %parallel_loop3A_263 = arith.index_cast %rem3A_179 : i32 to index
        %parallel_loop3A_264 = arith.index_cast %parallel_loop3A_243 : i32 to index
        %parallel_loop3A_265 = arith.constant 0 : index
        %parallel_loop3A_266 = tpu.vector_load %arg11[%parallel_loop3A_263, %parallel_loop3A_264, %parallel_loop3A_265] {strides = array<i32>} : memref<3x80x144xf32, #tpu.memory_space<vmem>>, vector<1x1x16xf32>,
        %parallel_loop3A_267 = vector.shape_cast %parallel_loop3A_266 : vector<1x1x16xf32> to vector<16xf32>
        %parallel_loop3A_268 = vector.extract_strided_slice %parallel_loop3A_262 {offsets = [0], sizes = [1], strides = [1]} : vector<16xf32> to vector<1xf32>
        %parallel_loop3A_269 = vector.extract %parallel_loop3A_268[0] : f32 from vector<1xf32>
        %parallel_loop3A_270 = vector.broadcast %parallel_loop3A_269 : f32 to vector<16xf32>
        %parallel_loop3A_271 = arith.mulf %parallel_loop3A_267, %parallel_loop3A_270 : vector<16xf32>
        %parallel_loop3A_272 = arith.index_cast %rem3A_179 : i32 to index
        %parallel_loop3A_273 = arith.index_cast %parallel_loop3A_243 : i32 to index
        %parallel_loop3A_274 = arith.constant 0 : index
        %parallel_loop3A_275 = tpu.vector_load %arg11[%parallel_loop3A_272, %parallel_loop3A_273, %parallel_loop3A_274] {strides = array<i32>} : memref<3x80x144xf32, #tpu.memory_space<vmem>>, vector<1x1x16xf32>,
        %parallel_loop3A_276 = vector.shape_cast %parallel_loop3A_275 : vector<1x1x16xf32> to vector<16xf32>
        %parallel_loop3A_277 = vector.shape_cast %parallel_loop3A_271 : vector<16xf32> to vector<1x1x16xf32>
        tpu.vector_store %arg11[%parallel_loop3A_272, %parallel_loop3A_273, %parallel_loop3A_274], %parallel_loop3A_277 {strides = array<i32>} : memref<3x80x144xf32, #tpu.memory_space<vmem>>, vector<1x1x16xf32>,
        %parallel_loop3A_278 = arith.index_cast %rem3A_179 : i32 to index
        %parallel_loop3A_279 = arith.index_cast %parallel_loop3A_243 : i32 to index
        %parallel_loop3A_280 = arith.constant 16 : index
        %parallel_loop3A_281 = tpu.vector_load %arg11[%parallel_loop3A_278, %parallel_loop3A_279, %parallel_loop3A_280] {strides = array<i32>} : memref<3x80x144xf32, #tpu.memory_space<vmem>>, vector<1x1x16xf32>,
        %parallel_loop3A_282 = vector.shape_cast %parallel_loop3A_281 : vector<1x1x16xf32> to vector<16xf32>
        %parallel_loop3A_283 = vector.extract_strided_slice %parallel_loop3A_262 {offsets = [1], sizes = [1], strides = [1]} : vector<16xf32> to vector<1xf32>
        %parallel_loop3A_284 = vector.extract %parallel_loop3A_283[0] : f32 from vector<1xf32>
        %parallel_loop3A_285 = vector.broadcast %parallel_loop3A_284 : f32 to vector<16xf32>
        %parallel_loop3A_286 = arith.mulf %parallel_loop3A_282, %parallel_loop3A_285 : vector<16xf32>
        %parallel_loop3A_287 = arith.index_cast %rem3A_179 : i32 to index
        %parallel_loop3A_288 = arith.index_cast %parallel_loop3A_243 : i32 to index
        %parallel_loop3A_289 = arith.constant 16 : index
        %parallel_loop3A_290 = tpu.vector_load %arg11[%parallel_loop3A_287, %parallel_loop3A_288, %parallel_loop3A_289] {strides = array<i32>} : memref<3x80x144xf32, #tpu.memory_space<vmem>>, vector<1x1x16xf32>,
        %parallel_loop3A_291 = vector.shape_cast %parallel_loop3A_290 : vector<1x1x16xf32> to vector<16xf32>
        %parallel_loop3A_292 = vector.shape_cast %parallel_loop3A_286 : vector<16xf32> to vector<1x1x16xf32>
        tpu.vector_store %arg11[%parallel_loop3A_287, %parallel_loop3A_288, %parallel_loop3A_289], %parallel_loop3A_292 {strides = array<i32>} : memref<3x80x144xf32, #tpu.memory_space<vmem>>, vector<1x1x16xf32>,
        %parallel_loop3A_293 = arith.index_cast %rem3A_179 : i32 to index
        %parallel_loop3A_294 = arith.index_cast %parallel_loop3A_243 : i32 to index
        %parallel_loop3A_295 = arith.constant 32 : index
        %parallel_loop3A_296 = tpu.vector_load %arg11[%parallel_loop3A_293, %parallel_loop3A_294, %parallel_loop3A_295] {strides = array<i32>} : memref<3x80x144xf32, #tpu.memory_space<vmem>>, vector<1x1x16xf32>,
        %parallel_loop3A_297 = vector.shape_cast %parallel_loop3A_296 : vector<1x1x16xf32> to vector<16xf32>
        %parallel_loop3A_298 = vector.extract_strided_slice %parallel_loop3A_262 {offsets = [2], sizes = [1], strides = [1]} : vector<16xf32> to vector<1xf32>
        %parallel_loop3A_299 = vector.extract %parallel_loop3A_298[0] : f32 from vector<1xf32>
        %parallel_loop3A_300 = vector.broadcast %parallel_loop3A_299 : f32 to vector<16xf32>
        %parallel_loop3A_301 = arith.mulf %parallel_loop3A_297, %parallel_loop3A_300 : vector<16xf32>
        %parallel_loop3A_302 = arith.index_cast %rem3A_179 : i32 to index
        %parallel_loop3A_303 = arith.index_cast %parallel_loop3A_243 : i32 to index
        %parallel_loop3A_304 = arith.constant 32 : index
        %parallel_loop3A_305 = tpu.vector_load %arg11[%parallel_loop3A_302, %parallel_loop3A_303, %parallel_loop3A_304] {strides = array<i32>} : memref<3x80x144xf32, #tpu.memory_space<vmem>>, vector<1x1x16xf32>,
        %parallel_loop3A_306 = vector.shape_cast %parallel_loop3A_305 : vector<1x1x16xf32> to vector<16xf32>
        %parallel_loop3A_307 = vector.shape_cast %parallel_loop3A_301 : vector<16xf32> to vector<1x1x16xf32>
        tpu.vector_store %arg11[%parallel_loop3A_302, %parallel_loop3A_303, %parallel_loop3A_304], %parallel_loop3A_307 {strides = array<i32>} : memref<3x80x144xf32, #tpu.memory_space<vmem>>, vector<1x1x16xf32>,
        %parallel_loop3A_308 = arith.index_cast %rem3A_179 : i32 to index
        %parallel_loop3A_309 = arith.index_cast %parallel_loop3A_243 : i32 to index
        %parallel_loop3A_310 = arith.constant 48 : index
        %parallel_loop3A_311 = tpu.vector_load %arg11[%parallel_loop3A_308, %parallel_loop3A_309, %parallel_loop3A_310] {strides = array<i32>} : memref<3x80x144xf32, #tpu.memory_space<vmem>>, vector<1x1x16xf32>,
        %parallel_loop3A_312 = vector.shape_cast %parallel_loop3A_311 : vector<1x1x16xf32> to vector<16xf32>
        %parallel_loop3A_313 = vector.extract_strided_slice %parallel_loop3A_262 {offsets = [3], sizes = [1], strides = [1]} : vector<16xf32> to vector<1xf32>
        %parallel_loop3A_314 = vector.extract %parallel_loop3A_313[0] : f32 from vector<1xf32>
        %parallel_loop3A_315 = vector.broadcast %parallel_loop3A_314 : f32 to vector<16xf32>
        %parallel_loop3A_316 = arith.mulf %parallel_loop3A_312, %parallel_loop3A_315 : vector<16xf32>
        %parallel_loop3A_317 = arith.index_cast %rem3A_179 : i32 to index
        %parallel_loop3A_318 = arith.index_cast %parallel_loop3A_243 : i32 to index
        %parallel_loop3A_319 = arith.constant 48 : index
        %parallel_loop3A_320 = tpu.vector_load %arg11[%parallel_loop3A_317, %parallel_loop3A_318, %parallel_loop3A_319] {strides = array<i32>} : memref<3x80x144xf32, #tpu.memory_space<vmem>>, vector<1x1x16xf32>,
        %parallel_loop3A_321 = vector.shape_cast %parallel_loop3A_320 : vector<1x1x16xf32> to vector<16xf32>
        %parallel_loop3A_322 = vector.shape_cast %parallel_loop3A_316 : vector<16xf32> to vector<1x1x16xf32>
        tpu.vector_store %arg11[%parallel_loop3A_317, %parallel_loop3A_318, %parallel_loop3A_319], %parallel_loop3A_322 {strides = array<i32>} : memref<3x80x144xf32, #tpu.memory_space<vmem>>, vector<1x1x16xf32>,
        %parallel_loop3A_323 = arith.index_cast %rem3A_179 : i32 to index
        %parallel_loop3A_324 = arith.index_cast %parallel_loop3A_243 : i32 to index
        %parallel_loop3A_325 = arith.constant 64 : index
        %parallel_loop3A_326 = tpu.vector_load %arg11[%parallel_loop3A_323, %parallel_loop3A_324, %parallel_loop3A_325] {strides = array<i32>} : memref<3x80x144xf32, #tpu.memory_space<vmem>>, vector<1x1x16xf32>,
        %parallel_loop3A_327 = vector.shape_cast %parallel_loop3A_326 : vector<1x1x16xf32> to vector<16xf32>
        %parallel_loop3A_328 = vector.extract_strided_slice %parallel_loop3A_262 {offsets = [4], sizes = [1], strides = [1]} : vector<16xf32> to vector<1xf32>
        %parallel_loop3A_329 = vector.extract %parallel_loop3A_328[0] : f32 from vector<1xf32>
        %parallel_loop3A_330 = vector.broadcast %parallel_loop3A_329 : f32 to vector<16xf32>
        %parallel_loop3A_331 = arith.mulf %parallel_loop3A_327, %parallel_loop3A_330 : vector<16xf32>
        %parallel_loop3A_332 = arith.index_cast %rem3A_179 : i32 to index
        %parallel_loop3A_333 = arith.index_cast %parallel_loop3A_243 : i32 to index
        %parallel_loop3A_334 = arith.constant 64 : index
        %parallel_loop3A_335 = tpu.vector_load %arg11[%parallel_loop3A_332, %parallel_loop3A_333, %parallel_loop3A_334] {strides = array<i32>} : memref<3x80x144xf32, #tpu.memory_space<vmem>>, vector<1x1x16xf32>,
        %parallel_loop3A_336 = vector.shape_cast %parallel_loop3A_335 : vector<1x1x16xf32> to vector<16xf32>
        %parallel_loop3A_337 = vector.shape_cast %parallel_loop3A_331 : vector<16xf32> to vector<1x1x16xf32>
        tpu.vector_store %arg11[%parallel_loop3A_332, %parallel_loop3A_333, %parallel_loop3A_334], %parallel_loop3A_337 {strides = array<i32>} : memref<3x80x144xf32, #tpu.memory_space<vmem>>, vector<1x1x16xf32>,
        %parallel_loop3A_338 = arith.index_cast %rem3A_179 : i32 to index
        %parallel_loop3A_339 = arith.index_cast %parallel_loop3A_243 : i32 to index
        %parallel_loop3A_340 = arith.constant 80 : index
        %parallel_loop3A_341 = tpu.vector_load %arg11[%parallel_loop3A_338, %parallel_loop3A_339, %parallel_loop3A_340] {strides = array<i32>} : memref<3x80x144xf32, #tpu.memory_space<vmem>>, vector<1x1x16xf32>,
        %parallel_loop3A_342 = vector.shape_cast %parallel_loop3A_341 : vector<1x1x16xf32> to vector<16xf32>
        %parallel_loop3A_343 = vector.extract_strided_slice %parallel_loop3A_262 {offsets = [5], sizes = [1], strides = [1]} : vector<16xf32> to vector<1xf32>
        %parallel_loop3A_344 = vector.extract %parallel_loop3A_343[0] : f32 from vector<1xf32>
        %parallel_loop3A_345 = vector.broadcast %parallel_loop3A_344 : f32 to vector<16xf32>
        %parallel_loop3A_346 = arith.mulf %parallel_loop3A_342, %parallel_loop3A_345 : vector<16xf32>
        %parallel_loop3A_347 = arith.index_cast %rem3A_179 : i32 to index
        %parallel_loop3A_348 = arith.index_cast %parallel_loop3A_243 : i32 to index
        %parallel_loop3A_349 = arith.constant 80 : index
        %parallel_loop3A_350 = tpu.vector_load %arg11[%parallel_loop3A_347, %parallel_loop3A_348, %parallel_loop3A_349] {strides = array<i32>} : memref<3x80x144xf32, #tpu.memory_space<vmem>>, vector<1x1x16xf32>,
        %parallel_loop3A_351 = vector.shape_cast %parallel_loop3A_350 : vector<1x1x16xf32> to vector<16xf32>
        %parallel_loop3A_352 = vector.shape_cast %parallel_loop3A_346 : vector<16xf32> to vector<1x1x16xf32>
        tpu.vector_store %arg11[%parallel_loop3A_347, %parallel_loop3A_348, %parallel_loop3A_349], %parallel_loop3A_352 {strides = array<i32>} : memref<3x80x144xf32, #tpu.memory_space<vmem>>, vector<1x1x16xf32>,
        %parallel_loop3A_353 = arith.index_cast %rem3A_179 : i32 to index
        %parallel_loop3A_354 = arith.index_cast %parallel_loop3A_243 : i32 to index
        %parallel_loop3A_355 = arith.constant 96 : index
        %parallel_loop3A_356 = tpu.vector_load %arg11[%parallel_loop3A_353, %parallel_loop3A_354, %parallel_loop3A_355] {strides = array<i32>} : memref<3x80x144xf32, #tpu.memory_space<vmem>>, vector<1x1x16xf32>,
        %parallel_loop3A_357 = vector.shape_cast %parallel_loop3A_356 : vector<1x1x16xf32> to vector<16xf32>
        %parallel_loop3A_358 = vector.extract_strided_slice %parallel_loop3A_262 {offsets = [6], sizes = [1], strides = [1]} : vector<16xf32> to vector<1xf32>
        %parallel_loop3A_359 = vector.extract %parallel_loop3A_358[0] : f32 from vector<1xf32>
        %parallel_loop3A_360 = vector.broadcast %parallel_loop3A_359 : f32 to vector<16xf32>
        %parallel_loop3A_361 = arith.mulf %parallel_loop3A_357, %parallel_loop3A_360 : vector<16xf32>
        %parallel_loop3A_362 = arith.index_cast %rem3A_179 : i32 to index
        %parallel_loop3A_363 = arith.index_cast %parallel_loop3A_243 : i32 to index
        %parallel_loop3A_364 = arith.constant 96 : index
        %parallel_loop3A_365 = tpu.vector_load %arg11[%parallel_loop3A_362, %parallel_loop3A_363, %parallel_loop3A_364] {strides = array<i32>} : memref<3x80x144xf32, #tpu.memory_space<vmem>>, vector<1x1x16xf32>,
        %parallel_loop3A_366 = vector.shape_cast %parallel_loop3A_365 : vector<1x1x16xf32> to vector<16xf32>
        %parallel_loop3A_367 = vector.shape_cast %parallel_loop3A_361 : vector<16xf32> to vector<1x1x16xf32>
        tpu.vector_store %arg11[%parallel_loop3A_362, %parallel_loop3A_363, %parallel_loop3A_364], %parallel_loop3A_367 {strides = array<i32>} : memref<3x80x144xf32, #tpu.memory_space<vmem>>, vector<1x1x16xf32>,
        %parallel_loop3A_368 = arith.index_cast %rem3A_179 : i32 to index
        %parallel_loop3A_369 = arith.index_cast %parallel_loop3A_243 : i32 to index
        %parallel_loop3A_370 = arith.constant 112 : index
        %parallel_loop3A_371 = tpu.vector_load %arg11[%parallel_loop3A_368, %parallel_loop3A_369, %parallel_loop3A_370] {strides = array<i32>} : memref<3x80x144xf32, #tpu.memory_space<vmem>>, vector<1x1x16xf32>,
        %parallel_loop3A_372 = vector.shape_cast %parallel_loop3A_371 : vector<1x1x16xf32> to vector<16xf32>
        %parallel_loop3A_373 = vector.extract_strided_slice %parallel_loop3A_262 {offsets = [7], sizes = [1], strides = [1]} : vector<16xf32> to vector<1xf32>
        %parallel_loop3A_374 = vector.extract %parallel_loop3A_373[0] : f32 from vector<1xf32>
        %parallel_loop3A_375 = vector.broadcast %parallel_loop3A_374 : f32 to vector<16xf32>
        %parallel_loop3A_376 = arith.mulf %parallel_loop3A_372, %parallel_loop3A_375 : vector<16xf32>
        %parallel_loop3A_377 = arith.index_cast %rem3A_179 : i32 to index
        %parallel_loop3A_378 = arith.index_cast %parallel_loop3A_243 : i32 to index
        %parallel_loop3A_379 = arith.constant 112 : index
        %parallel_loop3A_380 = tpu.vector_load %arg11[%parallel_loop3A_377, %parallel_loop3A_378, %parallel_loop3A_379] {strides = array<i32>} : memref<3x80x144xf32, #tpu.memory_space<vmem>>, vector<1x1x16xf32>,
        %parallel_loop3A_381 = vector.shape_cast %parallel_loop3A_380 : vector<1x1x16xf32> to vector<16xf32>
        %parallel_loop3A_382 = vector.shape_cast %parallel_loop3A_376 : vector<16xf32> to vector<1x1x16xf32>
        tpu.vector_store %arg11[%parallel_loop3A_377, %parallel_loop3A_378, %parallel_loop3A_379], %parallel_loop3A_382 {strides = array<i32>} : memref<3x80x144xf32, #tpu.memory_space<vmem>>, vector<1x1x16xf32>,
        %parallel_loop3A_383 = arith.index_cast %rem3A_179 : i32 to index
        %parallel_loop3A_384 = arith.index_cast %parallel_loop3A_243 : i32 to index
        %parallel_loop3A_385 = arith.constant 128 : index
        %parallel_loop3A_386 = tpu.vector_load %arg11[%parallel_loop3A_383, %parallel_loop3A_384, %parallel_loop3A_385] {strides = array<i32>} : memref<3x80x144xf32, #tpu.memory_space<vmem>>, vector<1x1x16xf32>,
        %parallel_loop3A_387 = vector.shape_cast %parallel_loop3A_386 : vector<1x1x16xf32> to vector<16xf32>
        %parallel_loop3A_388 = vector.shape_cast %parallel_loop3A_262 : vector<16xf32> to vector<1x1x16xf32>
        tpu.vector_store %arg11[%parallel_loop3A_383, %parallel_loop3A_384, %parallel_loop3A_385], %parallel_loop3A_388 {strides = array<i32>} : memref<3x80x144xf32, #tpu.memory_space<vmem>>, vector<1x1x16xf32>,
      } {sc.loop_unroll_factor = 4 : i64, sc.parallel_access}
      %dma_start3A_233 = arith.constant 0 : i32
      %dma_start3A_234 = arith.constant 0 : i32
      %dma_start3A_235 = tpu.memref_slice %arg11[%rem3A_179, %dma_start3A_233, %dma_start3A_234] : memref<3x80x144xf32, #tpu.memory_space<vmem>> -> memref<1x80x144xf32, #tpu.memory_space<vmem>>
      %dma_start3A_236 = tpu.memref_squeeze %dma_start3A_235 : memref<1x80x144xf32, #tpu.memory_space<vmem>> -> memref<80x144xf32, #tpu.memory_space<vmem>>
      %dma_start3A_237 = arith.constant 0 : i32
      %dma_start3A_238 = tpu.memref_slice %arg9[%rem3A_185, %dma_start3A_237] : memref<5x80xi32, #tpu.memory_space<vmem>> -> memref<1x80xi32, #tpu.memory_space<vmem>>
      %dma_start3A_239 = tpu.memref_squeeze %dma_start3A_238 : memref<1x80xi32, #tpu.memory_space<vmem>> -> memref<80xi32, #tpu.memory_space<vmem>>
      %dma_start3A_240 = arith.constant 0 : i32
      %dma_start3A_241 = arith.constant 0 : i32
      %dma_start3A_242 = tpu.memref_slice %arg7[%dma_start3A_240, %dma_start3A_241] : memref<10000x144xf32, #tpu.memory_space<vmem_shared>> -> memref<10000x144xf32, #tpu.memory_space<vmem_shared>>
      tpu.enqueue_indirect_dma source(%dma_start3A_236 : memref<80x144xf32, #tpu.memory_space<vmem>>) target(%dma_start3A_242 : memref<10000x144xf32, #tpu.memory_space<vmem_shared>>) offsets(%dma_start3A_239 : memref<80xi32, #tpu.memory_space<vmem>>) semaphore(%arg14 : memref<!tpu.dma_semaphore, #tpu.memory_space<semaphore_mem>>) {add = true}
    }
    %scan3A_143 = arith.constant 125 : i32
    %dma_wait3A_144 = arith.constant 0 : i32
    %dma_wait3A_145 = arith.constant 3 : i32
    %dma_wait3A_146 = arith.constant 0 : i32
    %dma_wait3A_147 = arith.constant 0 : i32
    %dma_wait3A_148 = tpu.memref_slice %arg11[%dma_wait3A_144, %dma_wait3A_146, %dma_wait3A_147] : memref<3x80x144xf32, #tpu.memory_space<vmem>> -> memref<1x80x144xf32, #tpu.memory_space<vmem>>
    %dma_wait3A_149 = tpu.memref_squeeze %dma_wait3A_148 : memref<1x80x144xf32, #tpu.memory_space<vmem>> -> memref<80x144xf32, #tpu.memory_space<vmem>>
    %dma_wait3A_150 = arith.constant 0 : i32
    %dma_wait3A_151 = tpu.memref_slice %arg9[%dma_wait3A_145, %dma_wait3A_150] : memref<5x80xi32, #tpu.memory_space<vmem>> -> memref<1x80xi32, #tpu.memory_space<vmem>>
    %dma_wait3A_152 = tpu.memref_squeeze %dma_wait3A_151 : memref<1x80xi32, #tpu.memory_space<vmem>> -> memref<80xi32, #tpu.memory_space<vmem>>
    %dma_wait3A_153 = arith.constant 0 : i32
    %dma_wait3A_154 = arith.constant 0 : i32
    %dma_wait3A_155 = tpu.memref_slice %arg7[%dma_wait3A_153, %dma_wait3A_154] : memref<10000x144xf32, #tpu.memory_space<vmem_shared>> -> memref<10000x144xf32, #tpu.memory_space<vmem_shared>>
    tpu.wait_indirect_dma semaphore(%arg14 : memref<!tpu.dma_semaphore, #tpu.memory_space<semaphore_mem>>) src(%dma_wait3A_149 : memref<80x144xf32, #tpu.memory_space<vmem>>) dst(%dma_wait3A_155 : memref<10000x144xf32, #tpu.memory_space<vmem_shared>>)
    %dma_wait3A_156 = arith.constant 1 : i32
    %dma_wait3A_157 = arith.constant 4 : i32
    %dma_wait3A_158 = arith.constant 0 : i32
    %dma_wait3A_159 = arith.constant 0 : i32
    %dma_wait3A_160 = tpu.memref_slice %arg11[%dma_wait3A_156, %dma_wait3A_158, %dma_wait3A_159] : memref<3x80x144xf32, #tpu.memory_space<vmem>> -> memref<1x80x144xf32, #tpu.memory_space<vmem>>
    %dma_wait3A_161 = tpu.memref_squeeze %dma_wait3A_160 : memref<1x80x144xf32, #tpu.memory_space<vmem>> -> memref<80x144xf32, #tpu.memory_space<vmem>>
    %dma_wait3A_162 = arith.constant 0 : i32
    %dma_wait3A_163 = tpu.memref_slice %arg9[%dma_wait3A_157, %dma_wait3A_162] : memref<5x80xi32, #tpu.memory_space<vmem>> -> memref<1x80xi32, #tpu.memory_space<vmem>>
    %dma_wait3A_164 = tpu.memref_squeeze %dma_wait3A_163 : memref<1x80xi32, #tpu.memory_space<vmem>> -> memref<80xi32, #tpu.memory_space<vmem>>
    %dma_wait3A_165 = arith.constant 0 : i32
    %dma_wait3A_166 = arith.constant 0 : i32
    %dma_wait3A_167 = tpu.memref_slice %arg7[%dma_wait3A_165, %dma_wait3A_166] : memref<10000x144xf32, #tpu.memory_space<vmem_shared>> -> memref<10000x144xf32, #tpu.memory_space<vmem_shared>>
    tpu.wait_indirect_dma semaphore(%arg14 : memref<!tpu.dma_semaphore, #tpu.memory_space<semaphore_mem>>) src(%dma_wait3A_161 : memref<80x144xf32, #tpu.memory_space<vmem>>) dst(%dma_wait3A_167 : memref<10000x144xf32, #tpu.memory_space<vmem_shared>>)
    %barrier3A_168 = arith.constant 0 : index
    tpu.barrier barrier_id(%barrier3A_168)
    %mul3A_169 = arith.constant 624 : i32
    %mul3A_170 = arith.muli %arg1, %mul3A_169 : i32
    %mul3A_171 = arith.constant 624 : i32
    %mul3A_172 = arith.muli %arg1, %mul3A_171 : i32
    "tpu.region"() ({
      %run_scoped3A = tpu.sem_alloc : memref<!tpu.dma_semaphore, #tpu.memory_space<semaphore_mem>>
      %dma_start3A_178 = arith.constant 0 : i32
      %dma_start3A_179 = tpu.memref_slice %arg6[%arg0, %mul3A_172, %dma_start3A_178] : memref<2x10000x144xf32, #tpu.memory_space<hbm>> -> memref<1x624x144xf32, #tpu.memory_space<hbm>>
      %dma_start3A_180 = tpu.memref_squeeze %dma_start3A_179 : memref<1x624x144xf32, #tpu.memory_space<hbm>> -> memref<624x144xf32, #tpu.memory_space<hbm>>
      %dma_start3A_181 = arith.constant 0 : i32
      %dma_start3A_182 = tpu.memref_slice %arg7[%mul3A_170, %dma_start3A_181] : memref<10000x144xf32, #tpu.memory_space<vmem_shared>> -> memref<624x144xf32, #tpu.memory_space<vmem_shared>>
      tpu.enqueue_dma source(%dma_start3A_182 : memref<624x144xf32, #tpu.memory_space<vmem_shared>>) target(%dma_start3A_180 : memref<624x144xf32, #tpu.memory_space<hbm>>) target_semaphore(%run_scoped3A : memref<!tpu.dma_semaphore, #tpu.memory_space<semaphore_mem>>)
      %dma_wait3A_183 = arith.constant 0 : i32
      %dma_wait3A_184 = tpu.memref_slice %arg6[%arg0, %mul3A_172, %dma_wait3A_183] : memref<2x10000x144xf32, #tpu.memory_space<hbm>> -> memref<1x624x144xf32, #tpu.memory_space<hbm>>
      %dma_wait3A_185 = tpu.memref_squeeze %dma_wait3A_184 : memref<1x624x144xf32, #tpu.memory_space<hbm>> -> memref<624x144xf32, #tpu.memory_space<hbm>>
      %dma_wait3A_186 = arith.constant 0 : i32
      %dma_wait3A_187 = tpu.memref_slice %arg7[%mul3A_170, %dma_wait3A_186] : memref<10000x144xf32, #tpu.memory_space<vmem_shared>> -> memref<624x144xf32, #tpu.memory_space<vmem_shared>>
      tpu.wait_dma2 semaphore(%run_scoped3A : memref<!tpu.dma_semaphore, #tpu.memory_space<semaphore_mem>>) src(%dma_wait3A_187 : memref<624x144xf32, #tpu.memory_space<vmem_shared>>) dst(%dma_wait3A_185 : memref<624x144xf32, #tpu.memory_space<hbm>>)
      tpu.yield
    }) : () -> ()
    %eq3A_173 = arith.constant 0 : i32
    %eq3A_174 = arith.cmpi eq, %arg1, %eq3A_173 : i32
    %convert_element_type3A_175 = arith.extui %eq3A_174 : i1 to i32
    %cond3A_176 = arith.constant 0 : i32
    %cond3A_177 = arith.cmpi ne, %convert_element_type3A_175, %cond3A_176 : i32
    scf.if %cond3A_177 {
      "tpu.region"() ({
        %run_scoped3A = tpu.sem_alloc : memref<!tpu.dma_semaphore, #tpu.memory_space<semaphore_mem>>
        %dma_start3A_178 = arith.constant 9984 : i32
        %dma_start3A_179 = arith.constant 0 : i32
        %dma_start3A_180 = tpu.memref_slice %arg6[%arg0, %dma_start3A_178, %dma_start3A_179] : memref<2x10000x144xf32, #tpu.memory_space<hbm>> -> memref<1x16x144xf32, #tpu.memory_space<hbm>>
        %dma_start3A_181 = tpu.memref_squeeze %dma_start3A_180 : memref<1x16x144xf32, #tpu.memory_space<hbm>> -> memref<16x144xf32, #tpu.memory_space<hbm>>
        %dma_start3A_182 = arith.constant 9984 : i32
        %dma_start3A_183 = arith.constant 0 : i32
        %dma_start3A_184 = tpu.memref_slice %arg7[%dma_start3A_182, %dma_start3A_183] : memref<10000x144xf32, #tpu.memory_space<vmem_shared>> -> memref<16x144xf32, #tpu.memory_space<vmem_shared>>
        tpu.enqueue_dma source(%dma_start3A_184 : memref<16x144xf32, #tpu.memory_space<vmem_shared>>) target(%dma_start3A_181 : memref<16x144xf32, #tpu.memory_space<hbm>>) target_semaphore(%run_scoped3A : memref<!tpu.dma_semaphore, #tpu.memory_space<semaphore_mem>>)
        %dma_wait3A_185 = arith.constant 9984 : i32
        %dma_wait3A_186 = arith.constant 0 : i32
        %dma_wait3A_187 = tpu.memref_slice %arg6[%arg0, %dma_wait3A_185, %dma_wait3A_186] : memref<2x10000x144xf32, #tpu.memory_space<hbm>> -> memref<1x16x144xf32, #tpu.memory_space<hbm>>
        %dma_wait3A_188 = tpu.memref_squeeze %dma_wait3A_187 : memref<1x16x144xf32, #tpu.memory_space<hbm>> -> memref<16x144xf32, #tpu.memory_space<hbm>>
        %dma_wait3A_189 = arith.constant 9984 : i32
        %dma_wait3A_190 = arith.constant 0 : i32
        %dma_wait3A_191 = tpu.memref_slice %arg7[%dma_wait3A_189, %dma_wait3A_190] : memref<10000x144xf32, #tpu.memory_space<vmem_shared>> -> memref<16x144xf32, #tpu.memory_space<vmem_shared>>
        tpu.wait_dma2 semaphore(%run_scoped3A : memref<!tpu.dma_semaphore, #tpu.memory_space<semaphore_mem>>) src(%dma_wait3A_191 : memref<16x144xf32, #tpu.memory_space<vmem_shared>>) dst(%dma_wait3A_188 : memref<16x144xf32, #tpu.memory_space<hbm>>)
        tpu.yield
      }) : () -> ()
    } else {
    }
    return
  }
}

module attributes {stable_mosaic.version = 14 : i64} {
  func.func @_tc1_body(%arg0: memref<10000x128xf32, #tpu.memory_space<vmem>>, %arg1: memref<128x128xf32, #tpu.memory_space<vmem>>, %arg2: memref<1x128xf32, #tpu.memory_space<vmem>>, %arg3: memref<1x128xf32, #tpu.memory_space<vmem>>, %arg4: memref<10000x144xf32, #tpu.memory_space<vmem>>, %arg5: memref<10000x16xf32, #tpu.memory_space<vmem>>) attributes {dimension_semantics = [], scalar_prefetch = 0 : i64, scratch_operands = 0 : i64, tpu.core_type = #tpu.core_type<tc>} {
    %get3A = arith.constant 0 : index
    %get3A_0 = arith.constant 0 : index
    %get3A_1 = vector.load %arg0[%get3A, %get3A_0] : memref<10000x128xf32, #tpu.memory_space<vmem>>, vector<10000x128xf32>
    %get3A_2 = arith.constant 0 : index
    %get3A_3 = arith.constant 0 : index
    %get3A_4 = vector.load %arg1[%get3A_2, %get3A_3] : memref<128x128xf32, #tpu.memory_space<vmem>>, vector<128x128xf32>
    %dot_general3A = arith.constant dense<0.000000e+00> : vector<10000x128xf32>
    %dot_general3A_5 = tpu.matmul %get3A_1, %get3A_4, %dot_general3A {dimension_numbers = #tpu.dot_dimension_numbers<[1], [0], [0], [1], [0, 0, 1, 1], [], []>, transpose_lhs_hint = false} : vector<10000x128xf32>, vector<128x128xf32>, vector<10000x128xf32> -> vector<10000x128xf32>
    %iota3A = tpu.iota {dimensions = array<i32: 0>} : vector<128x8xi32>
    %jit3A = arith.constant 16 : i32
    %div3A = vector.broadcast %jit3A : i32 to vector<128x8xi32>
    %div3A_6 = arith.divsi %iota3A, %div3A : vector<128x8xi32>
    %sign3A = arith.constant 0 : i32
    %sign3A_7 = vector.broadcast %sign3A : i32 to vector<128x8xi32>
    %sign3A_8 = arith.cmpi sgt, %iota3A, %sign3A_7 : vector<128x8xi32>
    %sign3A_9 = arith.extui %sign3A_8 : vector<128x8xi1> to vector<128x8xi32>
    %sign3A_10 = arith.constant 0 : i32
    %sign3A_11 = vector.broadcast %sign3A_10 : i32 to vector<128x8xi32>
    %sign3A_12 = arith.cmpi slt, %iota3A, %sign3A_11 : vector<128x8xi32>
    %sign3A_13 = arith.extui %sign3A_12 : vector<128x8xi1> to vector<128x8xi32>
    %sign3A_14 = arith.subi %sign3A_9, %sign3A_13 : vector<128x8xi32>
    %sign3A_15 = arith.constant 0 : i32
    %sign3A_16 = arith.cmpi sgt, %jit3A, %sign3A_15 : i32
    %sign3A_17 = arith.extui %sign3A_16 : i1 to i32
    %sign3A_18 = arith.constant 0 : i32
    %sign3A_19 = arith.cmpi slt, %jit3A, %sign3A_18 : i32
    %sign3A_20 = arith.extui %sign3A_19 : i1 to i32
    %sign3A_21 = arith.subi %sign3A_17, %sign3A_20 : i32
    %ne3A = vector.broadcast %sign3A_21 : i32 to vector<128x8xi32>
    %ne3A_22 = arith.cmpi ne, %sign3A_14, %ne3A : vector<128x8xi32>
    %rem3A = vector.broadcast %jit3A : i32 to vector<128x8xi32>
    %rem3A_23 = arith.remsi %iota3A, %rem3A : vector<128x8xi32>
    %ne3A_24 = arith.constant 0 : i32
    %ne3A_25 = vector.broadcast %ne3A_24 : i32 to vector<128x8xi32>
    %ne3A_26 = arith.cmpi ne, %rem3A_23, %ne3A_25 : vector<128x8xi32>
    %and3A = arith.andi %ne3A_22, %ne3A_26 : vector<128x8xi1>
    %sub3A = arith.constant 1 : i32
    %sub3A_27 = vector.broadcast %sub3A : i32 to vector<128x8xi32>
    %sub3A_28 = arith.subi %div3A_6, %sub3A_27 : vector<128x8xi32>
    %select_n3A = arith.select %and3A, %sub3A_28, %div3A_6 : vector<128x8xi1>, vector<128x8xi32>
    %iota3A_29 = tpu.iota {dimensions = array<i32: 1>} : vector<128x8xi32>
    %eq3A = arith.cmpi eq, %select_n3A, %iota3A_29 : vector<128x8xi32>
    %convert_element_type3A = arith.extui %eq3A : vector<128x8xi1> to vector<128x8xi32>
    %convert_element_type3A_30 = arith.sitofp %convert_element_type3A : vector<128x8xi32> to vector<128x8xf32>
    %get3A_31 = arith.constant 0 : index
    %get3A_32 = arith.constant 0 : index
    %get3A_33 = vector.load %arg2[%get3A_31, %get3A_32] : memref<1x128xf32, #tpu.memory_space<vmem>>, vector<1x128xf32>
    %mul3A = vector.broadcast %get3A_33 : vector<1x128xf32> to vector<10000x128xf32>
    %mul3A_34 = arith.mulf %dot_general3A_5, %mul3A : vector<10000x128xf32>
    %dot_general3A_35 = arith.constant dense<0.000000e+00> : vector<10000x8xf32>
    %dot_general3A_36 = tpu.matmul %mul3A_34, %convert_element_type3A_30, %dot_general3A_35 {dimension_numbers = #tpu.dot_dimension_numbers<[1], [0], [0], [1], [0, 0, 1, 1], [], []>, transpose_lhs_hint = false} : vector<10000x128xf32>, vector<128x8xf32>, vector<10000x8xf32> -> vector<10000x8xf32>
    %get3A_37 = arith.constant 0 : index
    %get3A_38 = arith.constant 0 : index
    %get3A_39 = vector.load %arg3[%get3A_37, %get3A_38] : memref<1x128xf32, #tpu.memory_space<vmem>>, vector<1x128xf32>
    %mul3A_40 = vector.broadcast %get3A_39 : vector<1x128xf32> to vector<10000x128xf32>
    %mul3A_41 = arith.mulf %dot_general3A_5, %mul3A_40 : vector<10000x128xf32>
    %dot_general3A_42 = arith.constant dense<0.000000e+00> : vector<10000x8xf32>
    %dot_general3A_43 = tpu.matmul %mul3A_41, %convert_element_type3A_30, %dot_general3A_42 {dimension_numbers = #tpu.dot_dimension_numbers<[1], [0], [0], [1], [0, 0, 1, 1], [], []>, transpose_lhs_hint = false} : vector<10000x128xf32>, vector<128x8xf32>, vector<10000x8xf32> -> vector<10000x8xf32>
    %broadcast_in_dim3A = arith.constant 0.000000e+00 : f32
    %broadcast_in_dim3A_44 = vector.broadcast %broadcast_in_dim3A : f32 to vector<10000x8xf32>
    %concatenate3A = tpu.concatenate %dot_general3A_5, %dot_general3A_36, %broadcast_in_dim3A_44 in 1 : vector<10000x128xf32>, vector<10000x8xf32>, vector<10000x8xf32> -> vector<10000x144xf32>
    %swap3A = arith.constant 0 : index
    %swap3A_45 = arith.constant 0 : index
    %swap3A_46 = vector.load %arg4[%swap3A, %swap3A_45] : memref<10000x144xf32, #tpu.memory_space<vmem>>, vector<10000x144xf32>
    tpu.vector_store %arg4[%swap3A, %swap3A_45], %concatenate3A {strides = array<i32>} : memref<10000x144xf32, #tpu.memory_space<vmem>>, vector<10000x144xf32>,
    %concatenate3A_47 = tpu.concatenate %dot_general3A_43, %broadcast_in_dim3A_44 in 1 : vector<10000x8xf32>, vector<10000x8xf32> -> vector<10000x16xf32>
    %swap3A_48 = arith.constant 0 : index
    %swap3A_49 = arith.constant 0 : index
    %swap3A_50 = vector.load %arg5[%swap3A_48, %swap3A_49] : memref<10000x16xf32, #tpu.memory_space<vmem>>, vector<10000x16xf32>
    tpu.vector_store %arg5[%swap3A_48, %swap3A_49], %concatenate3A_47 {strides = array<i32>} : memref<10000x16xf32, #tpu.memory_space<vmem>>, vector<10000x16xf32>,
    return
  }
}

module attributes {stable_mosaic.version = 14 : i64} {
  func.func @_tc2_body(%arg0: memref<2x10000x144xf32, #tpu.memory_space<vmem>>, %arg1: memref<10000x128xf32, #tpu.memory_space<vmem>>) attributes {dimension_semantics = [], scalar_prefetch = 0 : i64, scratch_operands = 0 : i64, tpu.core_type = #tpu.core_type<tc>} {
    %get3A = arith.constant 0 : index
    %get3A_0 = arith.constant 0 : index
    %get3A_1 = arith.constant 0 : index
    %get3A_2 = vector.load %arg0[%get3A, %get3A_0, %get3A_1] : memref<2x10000x144xf32, #tpu.memory_space<vmem>>, vector<1x10000x128xf32>
    %get3A_3 = vector.shape_cast %get3A_2 : vector<1x10000x128xf32> to vector<10000x128xf32>
    %get3A_4 = arith.constant 1 : index
    %get3A_5 = arith.constant 0 : index
    %get3A_6 = arith.constant 0 : index
    %get3A_7 = vector.load %arg0[%get3A_4, %get3A_5, %get3A_6] : memref<2x10000x144xf32, #tpu.memory_space<vmem>>, vector<1x10000x128xf32>
    %get3A_8 = vector.shape_cast %get3A_7 : vector<1x10000x128xf32> to vector<10000x128xf32>
    %add3A = arith.addf %get3A_3, %get3A_8 : vector<10000x128xf32>
    %get3A_9 = arith.constant 0 : index
    %get3A_10 = arith.constant 0 : index
    %get3A_11 = arith.constant 128 : index
    %get3A_12 = vector.load %arg0[%get3A_9, %get3A_10, %get3A_11] : memref<2x10000x144xf32, #tpu.memory_space<vmem>>, vector<1x10000x8xf32>
    %get3A_13 = vector.shape_cast %get3A_12 : vector<1x10000x8xf32> to vector<10000x8xf32>
    %get3A_14 = arith.constant 1 : index
    %get3A_15 = arith.constant 0 : index
    %get3A_16 = arith.constant 128 : index
    %get3A_17 = vector.load %arg0[%get3A_14, %get3A_15, %get3A_16] : memref<2x10000x144xf32, #tpu.memory_space<vmem>>, vector<1x10000x8xf32>
    %get3A_18 = vector.shape_cast %get3A_17 : vector<1x10000x8xf32> to vector<10000x8xf32>
    %add3A_19 = arith.addf %get3A_13, %get3A_18 : vector<10000x8xf32>
    %iota3A = tpu.iota {dimensions = array<i32: 0>} : vector<8x128xi32>
    %iota3A_20 = tpu.iota {dimensions = array<i32: 1>} : vector<8x128xi32>
    %jit3A = arith.constant 16 : i32
    %div3A = vector.broadcast %jit3A : i32 to vector<8x128xi32>
    %div3A_21 = arith.divsi %iota3A_20, %div3A : vector<8x128xi32>
    %sign3A = arith.constant 0 : i32
    %sign3A_22 = vector.broadcast %sign3A : i32 to vector<8x128xi32>
    %sign3A_23 = arith.cmpi sgt, %iota3A_20, %sign3A_22 : vector<8x128xi32>
    %sign3A_24 = arith.extui %sign3A_23 : vector<8x128xi1> to vector<8x128xi32>
    %sign3A_25 = arith.constant 0 : i32
    %sign3A_26 = vector.broadcast %sign3A_25 : i32 to vector<8x128xi32>
    %sign3A_27 = arith.cmpi slt, %iota3A_20, %sign3A_26 : vector<8x128xi32>
    %sign3A_28 = arith.extui %sign3A_27 : vector<8x128xi1> to vector<8x128xi32>
    %sign3A_29 = arith.subi %sign3A_24, %sign3A_28 : vector<8x128xi32>
    %sign3A_30 = arith.constant 0 : i32
    %sign3A_31 = arith.cmpi sgt, %jit3A, %sign3A_30 : i32
    %sign3A_32 = arith.extui %sign3A_31 : i1 to i32
    %sign3A_33 = arith.constant 0 : i32
    %sign3A_34 = arith.cmpi slt, %jit3A, %sign3A_33 : i32
    %sign3A_35 = arith.extui %sign3A_34 : i1 to i32
    %sign3A_36 = arith.subi %sign3A_32, %sign3A_35 : i32
    %ne3A = vector.broadcast %sign3A_36 : i32 to vector<8x128xi32>
    %ne3A_37 = arith.cmpi ne, %sign3A_29, %ne3A : vector<8x128xi32>
    %rem3A = vector.broadcast %jit3A : i32 to vector<8x128xi32>
    %rem3A_38 = arith.remsi %iota3A_20, %rem3A : vector<8x128xi32>
    %ne3A_39 = arith.constant 0 : i32
    %ne3A_40 = vector.broadcast %ne3A_39 : i32 to vector<8x128xi32>
    %ne3A_41 = arith.cmpi ne, %rem3A_38, %ne3A_40 : vector<8x128xi32>
    %and3A = arith.andi %ne3A_37, %ne3A_41 : vector<8x128xi1>
    %sub3A = arith.constant 1 : i32
    %sub3A_42 = vector.broadcast %sub3A : i32 to vector<8x128xi32>
    %sub3A_43 = arith.subi %div3A_21, %sub3A_42 : vector<8x128xi32>
    %select_n3A = arith.select %and3A, %sub3A_43, %div3A_21 : vector<8x128xi1>, vector<8x128xi32>
    %eq3A = arith.cmpi eq, %iota3A, %select_n3A : vector<8x128xi32>
    %convert_element_type3A = arith.extui %eq3A : vector<8x128xi1> to vector<8x128xi32>
    %convert_element_type3A_44 = arith.sitofp %convert_element_type3A : vector<8x128xi32> to vector<8x128xf32>
    %dot_general3A = arith.constant dense<0.000000e+00> : vector<10000x128xf32>
    %dot_general3A_45 = tpu.matmul %add3A_19, %convert_element_type3A_44, %dot_general3A {dimension_numbers = #tpu.dot_dimension_numbers<[1], [0], [0], [1], [0, 0, 1, 1], [], []>, transpose_lhs_hint = false} : vector<10000x8xf32>, vector<8x128xf32>, vector<10000x128xf32> -> vector<10000x128xf32>
    %add3A_46 = arith.constant 1.000000e-16 : f32
    %add3A_47 = vector.broadcast %add3A_46 : f32 to vector<10000x128xf32>
    %add3A_48 = arith.addf %dot_general3A_45, %add3A_47 : vector<10000x128xf32>
    %div3A_49 = arith.divf %add3A, %add3A_48 : vector<10000x128xf32>
    %gt3A = arith.constant 0.000000e+00 : f32
    %gt3A_50 = vector.broadcast %gt3A : f32 to vector<10000x128xf32>
    %gt3A_51 = arith.cmpf ogt, %div3A_49, %gt3A_50 : vector<10000x128xf32>
    %min3A = arith.constant 0.000000e+00 : f32
    %min3A_52 = vector.broadcast %min3A : f32 to vector<10000x128xf32>
    %min3A_53 = arith.minimumf %div3A_49, %min3A_52 : vector<10000x128xf32>
    %exp3A = math.exp %min3A_53 : vector<10000x128xf32>
    %sub3A_54 = arith.constant 1.000000e+00 : f32
    %sub3A_55 = vector.broadcast %sub3A_54 : f32 to vector<10000x128xf32>
    %sub3A_56 = arith.subf %exp3A, %sub3A_55 : vector<10000x128xf32>
    %select_n3A_57 = arith.select %gt3A_51, %div3A_49, %sub3A_56 : vector<10000x128xi1>, vector<10000x128xf32>
    %swap3A = arith.constant 0 : index
    %swap3A_58 = arith.constant 0 : index
    %swap3A_59 = vector.load %arg1[%swap3A, %swap3A_58] : memref<10000x128xf32, #tpu.memory_space<vmem>>, vector<10000x128xf32>
    tpu.vector_store %arg1[%swap3A, %swap3A_58], %select_n3A_57 {strides = array<i32>} : memref<10000x128xf32, #tpu.memory_space<vmem>>, vector<10000x128xf32>,
    return
  }
}

</mosaic_0001>

<sc_bundles>
// kernel: kernel.5.cloned.1.call-start
scs
__scs_entry_jumppad:
0x0: {  	(pc) =	sbr.rel $0x88, $3  }
0x1: {  	(tag) =	ssettag $0x0;
	lr =	simm.s32 $0x1  }
0x2: {  	[smem:$0x3F9C] =	sst lr;
	_ =	strace $0xD0000000  }
0x3: {  	_ = 	snop  }
0x4: {  	_ = 	snop  }
0x5: {  	_ = 	snop  }
0x6: {  	_ = 	snop  }
0x7: {  	_ = 	snop  }
__scs_overlays_trampoline_lowered:
0x8: {  	[smem:$0x3FAB] =	sst s0  }
0x9: {  	[smem:$0x3FAC] =	sst s1  }
0xa: {  	[smem:$0x3FAD] =	sst s2  }
0xb: {  	[smem:$0x3FAE] =	sst s3  }
0xc: {  	[smem:$0x3FAF] =	sst s4  }
0xd: {  	[smem:$0x3FB0] =	sst s5  }
0xe: {  	[smem:$0x3FB1] =	sst s6  }
0xf: {  	[smem:$0x3FB2] =	sst s7  }
0x10: {  	[smem:$0x3FB3] =	sst s8  }
0x11: {  	[smem:$0x3FB4] =	sst s9;
	s0 =	simm.s32 @!p0 $0x0  }
0x12: {  	s1 =	sld [smem:$0x3F9A];
	s0 =	simm.s32 @p0 $0x1  }
0x13: {  	[smem:$0x3FB5] =	sst s0;
	s0 =	simm.s32 @!p1 $0x0  }
0x14: {  	s2 =	sld [smem:$0x3F99];
	s0 =	simm.s32 @p1 $0x1  }
0x15: {  	[smem:$0x3FB6] =	sst s0;
	s0 =	simm.s32 @!p2 $0x0  }
0x16: {  	s3 =	sld [smem:$0x3FDB];
	s0 =	simm.s32 @p2 $0x1  }
0x17: {  	s4 =	simm.s32 $0x1BF5;
	[smem:$0x3FB8] =	sst s0  }
0x18: {  	s0 =	sld [smem:$0x3F9B];
	_ =	swait.ge [sflag:s4], $0x0  }
0x19: {  	s7 =	sld [smem:$0x3F9C]  }
0x1a: {  	s8 =	sadd.s32 $0xFFFFE003, lr  }
0x1b: {  	s9 =	sadd.s32 $0xFFFFFEF7, lr;
	s5 =	simm.s32 $0xFFFFFFFF;
	p2 =	slt.u32 s8, $0xFFFFF086  }
0x1c: {  	p1 =	slt.u32 s9, $0xF7A;
	s5 =	simm.s32 @!p2 $0x0  }
0x1d: {  	s5 =	simm.s32 @p1 $0x1;
	p0 =	seq.s32 s7, s2  }
0x1e: {  	s7 =	smul.u32 @!p0 $0xF7A, s2;
	p2 =	seq.s32 @!p0 s5, $0x0  }
0x1f: {  	s9 =	smul.u32 $0xF7A, s1;
	s8 =	simm.s32 @!p0 $0x1BF5;
	p2 =	por !p2, p0  }
0x20: {  	[sflag:s8] =	ssyncset.s32 @!p0 $0xFFFFF086;
	s6 =	sadd.s32 @!p0 s3, s7;
	s7 =	simm.s32 @!p0 $0x108  }
0x21: {  	s3 =	sadd.s32 s3, s9;
	s6 =	sadd.s32 @!p0 $0x88, s6;
	s7 =	simm.s32 @p2 $0x1082  }
0x22: {  	[simem:s7], [sflag:s8] =	dma.local @!p0 [hbm:s6], $0xF7A  }
0x23: {  	s9 =	sor.u32 $0xD0000000, s2;
	s6 =	simm.s32 $0x108;
	_ =	swait.ge @!p0 [sflag:s8], $0x0  }
0x24: {  	s3 =	sadd.s32 $0x88, s3;
	s6 =	simm.s32 @!p1 $0x1082;
	[sflag:s4] =	ssyncset.s32 $0xFFFFF086  }
0x25: {  	[simem:s6], [sflag:s4] =	dma.local [hbm:s3], $0xF7A  }
0x26: {  	[smem:$0x3F9C] =	sst s1;
	(tag) =	ssettag s2;
	_ =	strace s9  }
0x27: {  	s1 =	sld [smem:$0x3FAC]  }
0x28: {  	s2 =	sld [smem:$0x3FAD]  }
0x29: {  	s4 =	sld [smem:$0x3FAF]  }
0x2a: {  	p0 =	seq.s32 s5, $0x0;
	s5 =	sld [smem:$0x3FB0]  }
0x2b: {  	s6 =	sld [smem:$0x3FB1]  }
0x2c: {  	s7 =	sld [smem:$0x3FB2]  }
0x2d: {  	s3 =	simm.s32 $0x108;
	s8 =	sld [smem:$0x3FB3]  }
0x2e: {  	s3 =	simm.s32 @!p0 $0x1082;
	s9 =	sld [smem:$0x3FB4]  }
0x2f: {  	lr =	sadd.s32 s0, s3;
	s0 =	sld [smem:$0x3FAB]  }
0x30: {  	s3 =	sld [smem:$0x3FAE]  }
0x31: {  	[smem:$0x3FB7] =	sst s10  }
0x32: {  	s10 =	sld [smem:$0x3FB5];
	_ =	sdelay $0x3  }
0x33: {  	p0 =	seq.s32 s10, $0x1;
	s10 =	sld [smem:$0x3FB7];
	_ =	sdelay $0x3  }
0x34: {  	[smem:$0x3FB7] =	sst s10  }
0x35: {  	s10 =	sld [smem:$0x3FB6];
	_ =	sdelay $0x3  }
0x36: {  	p1 =	seq.s32 s10, $0x1;
	s10 =	sld [smem:$0x3FB7];
	_ =	sdelay $0x3  }
0x37: {  	[smem:$0x3FB7] =	sst s10  }
0x38: {  	s10 =	sld [smem:$0x3FB8]  }
0x39: {  	_ = 	snop;
	(pc) =	sbr.ind lr, $3  }
0x3a: {  	_ = 	snop  }
0x3b: {  	_ = 	snop  }
0x3c: {  	p2 =	seq.s32 s10, $0x1;
	s10 =	sld [smem:$0x3FB7]  }
0x3d: {  	_ =	shalt  }
0x3e: {  	_ =	shalt  }
0x3f: {  	_ =	shalt  }
0x40: {  	_ =	shalt  }
0x41: {  	_ =	shalt  }
0x42: {  	_ =	shalt  }
0x43: {  	_ =	shalt  }
0x44: {  	_ =	shalt  }
0x45: {  	_ =	shalt  }
0x46: {  	_ =	shalt  }
0x47: {  	_ =	shalt  }
0x48: {  	_ =	shalt  }
0x49: {  	_ =	shalt  }
0x4a: {  	_ =	shalt  }
0x4b: {  	_ =	shalt  }
0x4c: {  	_ =	shalt  }
0x4d: {  	_ =	shalt  }
0x4e: {  	_ =	shalt  }
0x4f: {  	_ =	shalt  }
0x50: {  	_ =	shalt  }
0x51: {  	_ =	shalt  }
0x52: {  	_ =	shalt  }
0x53: {  	_ =	shalt  }
0x54: {  	_ =	shalt  }
0x55: {  	_ =	shalt  }
0x56: {  	_ =	shalt  }
0x57: {  	_ =	shalt  }
0x58: {  	_ =	shalt  }
0x59: {  	_ =	shalt  }
0x5a: {  	_ =	shalt  }
0x5b: {  	_ =	shalt  }
0x5c: {  	_ =	shalt  }
0x5d: {  	_ =	shalt  }
0x5e: {  	_ =	shalt  }
0x5f: {  	_ =	shalt  }
0x60: {  	_ =	shalt  }
0x61: {  	_ =	shalt  }
0x62: {  	_ =	shalt  }
0x63: {  	_ =	shalt  }
0x64: {  	_ =	shalt  }
0x65: {  	_ =	shalt  }
0x66: {  	_ =	shalt  }
0x67: {  	_ =	shalt  }
0x68: {  	_ =	shalt  }
0x69: {  	_ =	shalt  }
0x6a: {  	_ =	shalt  }
0x6b: {  	_ =	shalt  }
0x6c: {  	_ =	shalt  }
0x6d: {  	_ =	shalt  }
0x6e: {  	_ =	shalt  }
0x6f: {  	_ =	shalt  }
0x70: {  	_ =	shalt  }
0x71: {  	_ =	shalt  }
0x72: {  	_ =	shalt  }
0x73: {  	_ =	shalt  }
0x74: {  	_ =	shalt  }
0x75: {  	_ =	shalt  }
0x76: {  	_ =	shalt  }
0x77: {  	_ =	shalt  }
0x78: {  	_ =	shalt  }
0x79: {  	_ =	shalt  }
0x7a: {  	_ =	shalt  }
0x7b: {  	_ =	shalt  }
0x7c: {  	_ =	shalt  }
0x7d: {  	_ =	shalt  }
0x7e: {  	_ =	shalt  }
0x7f: {  	_ =	shalt  }
0x80: {  	_ =	shalt  }
0x81: {  	_ =	shalt  }
0x82: {  	_ =	shalt  }
0x83: {  	_ =	shalt  }
0x84: {  	_ =	shalt  }
0x85: {  	_ =	shalt  }
0x86: {  	_ =	shalt  }
0x87: {  	_ =	shalt  }
.Lfunc_end0:
.L_simem_size_0:
called_computation_lowered:
.L_overlay_start_0:
0x88: {  	s2 =	sld [smem:$0x3FD9]  }
0x89: {  	s3 =	sld [smem:$0x3FFE];
	_ =	sdelay $0x1  }
0x8a: {  	s1 =	srdreg.scid  }
0x8b: {  	s0 =	sand.u32 $0x1, s1  }
0x8c: {  	s17 =	sshll.u32 s0, $0xA;
	s2 =	sadd.s32 s3, s2  }
0x8d: {  	s2 =	sadd.s32 s2, s17  }
0x8e: {  	[smem:$0x3FC3] =	sst s2  }
0x8f: {  	_ = 	snop  }
0x90: {  	s2 =	sld [smem:$0x3FD0];
	(tm) =	ssettm $0x1  }
0x91: {  	s18 =	sld [smem:$0x3FFB];
	_ =	sdelay $0x3  }
0x92: {  	_ =	strace s18  }
0x93: {  	s3 =	sld [smem:$0x3FFC];
	_ =	sdelay $0x3  }
0x94: {  	_ =	strace s3  }
0x95: {  	s3 =	sld [smem:$0x3FFD];
	_ =	sdelay $0x3  }
0x96: {  	_ =	strace s3  }
0x97: {  	_ =	strace $0x8FFFFFFF  }
0x98: {  	s19 =	sld [smem:$0x3FDB];
	_ =	sdelay $0x1  }
0x99: {  	s4 =	simm.s32 $_scs_section_size  }
0x9a: {  	s5 =	simm.s32 $_size__tile_overlayer_lowered;
	s6 =	simm.s32 $_tile_overlayer_lowered  }
0x9b: {  	s22 =	simm.s32 $0x1BFF;
	s21 =	sshll.u32 s6, $0x1;
	s3 =	sadd.s32 s4, s19  }
0x9c: {  	s7 =	simm.s32 $0x0;
	s20 =	sshll.u32 s5, $0x1;
	s5 =	sadd.s32 s21, s3  }
0x9d: {  	[timem:s7], [sflag:s22] =	dma.local [hbm:s5], s20  }
0x9e: {  	_ =	swait.ge [sflag:s22], s20  }
0x9f: {  	s4 =	ssub.s32 $0x0, s20;
	[sflag:s22] =	ssyncset.done $0x0  }
0xa0: {  	[sflag:s22] =	ssyncadd.s32 s4;
	_ =	sdelay $0x1  }
0xa1: {  	s23 =	simm.s32 $0x1B8B  }
0xa2: {  	_ =	swait.ge [sflag:s23], $0x1  }
0xa3: {  	[sflag:s23] =	ssyncset.done $0x0  }
0xa4: {  	s25 =	simm.s32 $0x1B8E;
	s24 =	sld [smem:$0x3FFE];
	[sflag:s23] =	ssyncadd.s32 $0xFFFFFFFF  }
0xa5: {  	s26 =	simm.s32 $execute0_lowered;
	[smem:$0x3FD2] =	sst s25  }
0xa6: {  	s5 =	sshll.u32 s26, $0x1;
	_ =	strace $0x80000046;
	[dreg:$0x1] =	wrdreg $0xFFFFFFFF  }
0xa7: {  	s28 =	simm.s32 $_size_execute0_lowered;
	s3 =	sadd.s32 s3, s5;
	[dreg:$0x0] =	wrdreg $0x0  }
0xa8: {  	s5 =	sshll.u32 s28, $0x1;
	[dreg:$0x2] =	wrdreg s3  }
0xa9: {  	[dreg:$0x3] =	wrdreg s5  }
0xaa: {  	[dreg:$0x4] =	wrdreg $0xC0  }
0xab: {  	_ =	task [dreg:s7], $0x5FFFF  }
0xac: {  	[dreg:$0x1] =	wrdreg $0xFFFFFFFF  }
0xad: {  	[dreg:$0x0] =	wrdreg $0x60  }
0xae: {  	[dreg:$0x2] =	wrdreg s24  }
0xaf: {  	[dreg:$0x3] =	wrdreg s2  }
0xb0: {  	[dreg:$0x4] =	wrdreg $0x0  }
0xb1: {  	[dreg:$0x5] =	wrdreg $0x9  }
0xb2: {  	_ =	task.clear_ibuf [dreg:s7], $0x6FFFF;
	_ =	strace $0x90000046  }
0xb3: {  	s29 =	simm.s32 $0x9;
	_ =	strace $0x80000048  }
0xb4: {  	_ =	swait.ge [sflag:s29], $0x1  }
0xb5: {  	[sflag:s29] =	ssyncadd.s32 $0xFFFFFFFF  }
0xb6: {  	_ =	strace $0x90000048  }
0xb7: {  	_ =	sfence  }
0xb8: {  	s30 =	sld [smem:$0x0];
	_ =	sdelay $0x2  }
0xb9: {  	s31 =	sshll.u32 s1, $0xD;
	s1 =	sshrl.u32 s1, $0x2  }
0xba: {  	s3 =	sand.u32 $0x4000, s31;
	s1 =	sadd.s32 s1, s30  }
0xbb: {  	s0 =	sor.u32 s3, s0;
	s1 =	sshll.u32 s1, $0x11  }
0xbc: {  	s0 =	sor.u32 s1, s0  }
0xbd: {  	s0 =	sadd.s32 $0x8F2B, s0  }
0xbe: {  	[sflag:s0] =	ssyncadd.remote.s32 $0x1  }
0xbf: {  	_ =	sfence.sel $0xFFFF  }
0xc0: {  	[dreg:$0x0] =	wrdreg $0xFFFFFFFF;
	(pc) =	sbr.abs _section_cstart, $3  }
0xc1: {  	[dreg:$0x1] =	wrdreg $0xFFFFFFFF  }
0xc2: {  	_ =	task.clear_ibuf [dreg:s7], $0x2FFFF;
	_ =	strace $0x9FFFFFFF  }
0xc3: {  	(tm) =	ssettm $0x7FFFFFFF  }
tec
execute0_lowered:
.L_overlay_start_1:
0x0: {  	(tag) =	ssettag $0x1  }
0x1: {  	s1 =	rddreg [dreg:$0x0]  }
0x2: {  	s2 =	rddreg [dreg:$0x1]  }
0x3: {  	s3 =	rddreg [dreg:$0x2];
	s0 =	simm.s32 $0x0;
	s13 =	srdreg.scid  }
0x4: {  	s14 =	stileid.u32;
	s28 =	simm.s32 $0x3;
	s31 =	simm.s32 $0x4  }
0x5: {  	[smem:$0x7FF] =	sst s0;
	s6 =	sadd.s32 $0x9E00, s1;
	s0 =	sand.u32 $0x1, s13  }
0x6: {  	s4 =	smul.u32 $0x57C00, s14;
	s7 =	sadd.s32 $0x35E00, s1;
	s5 =	sadd.s32 $0x3AE00, s1  }
0x7: {  	s12 =	smul.u32 $0x15F00, s14;
	p0 =	sne.s32 s14, $0x0;
	_ =	strace $0x80000047  }
0x8: {  	s8 =	sshll.u32 s0, $0x4;
	s10 =	ssub.s32 $0x2, s0;
	s0 =	smul.u32 $0x15F900, s0  }
0x9: {  	s9 =	sor.u32 s14, s8;
	s4 =	sshrl.u32 s4, $0x2;
	s11 =	sshrl.u32 s10, $0x1  }
0xa: {  	s22 =	sadd.s32 s12, s3;
	s8 =	sadd.s32 s4, s3;
	s9 =	smul.u32 $0x2710, s9  }
0xb: {  	s15 =	ssub.s32 s10, s11;
	s11 =	sadd.s32 $0x15F000, s3;
	s16 =	sadd.s32 $0x13B00, s8  }
0xc: {  	s20 =	sadd.s32 s12, s0;
	s23 =	smax.u32 s15, $0x1;
	[dreg:$0x4] =	wrdreg s16  }
0xd: {  	s0 =	sshrl.u32 s0, $0x3;
	s24 =	sadd.s32 $0x2D00, s8;
	[dreg:$0xb] =	wrdreg s23  }
0xe: {  	s4 =	simm.s32 $0x1;
	s25 =	sadd.s32 $0x5A00, s8;
	[dreg:$0xc] =	wrdreg s24  }
0xf: {  	s12 =	simm.s32 $0x0;
	s26 =	sadd.s32 $0x8700, s8;
	[dreg:$0xd] =	wrdreg s25  }
0x10: {  	s21 =	sshrl.u32 s20, $0x3;
	s29 =	sadd.s32 $0xB400, s8;
	[dreg:$0xe] =	wrdreg s26  }
0x11: {  	s0 =	sadd.s32 s5, s0;
	s30 =	sadd.s32 $0xE100, s8;
	[dreg:$0xf] =	wrdreg s29  }
0x12: {  	s17 =	sshrl.u32 s9, $0x3;
	s5 =	sadd.s32 s5, s21;
	[dreg:$0x10] =	wrdreg s30  }
0x13: {  	s0 =	sadd.s32 $0x2BE00, s0;
	s24 =	sadd.s32 $0x10E00, s8;
	[dreg:$0x9] =	wrdreg s5  }
0x14: {  	s25 =	sshrl.u32 s22, $0x3;
	s13 =	sadd.s32 s1, s17;
	[dreg:$0xa] =	wrdreg s0  }
0x15: {  	s18 =	sadd.s32 s2, s17;
	s10 =	sadd.s32 $0xA, s17;
	[dreg:$0x5] =	wrdreg s13  }
0x16: {  	s26 =	simm.s32 $0x171B0;
	[dreg:$0x6] =	wrdreg s18;
	s19 =	sadd.s32 s1, s10  }
0x17: {  	s0 =	simm.s32 $0x50;
	s10 =	sadd.s32 s2, s10;
	[dreg:$0x7] =	wrdreg s19  }
0x18: {  	v0 =	vimm.f32 $0.0e+00;
	s5 =	simm.s32 $0x2;
	[dreg:$0x8] =	wrdreg s10;
	s10 =	simm.s32 $0x5  }
.LBB2_1:
0x19: {  	s13 =	simm.s32 $0x0  }
0x1a: {  	s13 =	smul.u32 $0xE38F, s13;
	_ =	sdelay $0x1  }
0x1b: {  	s14 =	sshrl.u32 s13, $0x13  }
0x1c: {  	s15 =	simm.s32 $0x0;
	s13 =	simm.s32 $0x1;
	s16 =	smul.u32 $0x9, s14  }
.LBB2_2:
0x1d: {  	s17 =	smul.u32 $0xE38F, s13  }
0x1e: {  	s18 =	smov.u32 s13;
	s14 =	smul.u32 $0x240, s14;
	p1 =	sne.s32 s13, $0x2CF  }
.Ltmp0:
0x1f: {  	s15 =	ssub.s32 s15, s16;
	(pc) =	sbr.rel @p1 .LBB2_2-.Ltmp0, $4  }
0x20: {  	s13 =	sadd.s32 $0x1, s13;
	s15 =	sand.u32 $0xFFFF, s15  }
0x21: {  	s16 =	sshrl.u32 s14, $0x2;
	s19 =	sshll.u32 s15, $0x4;
	s15 =	smov.u32 s18  }
0x22: {  	s14 =	sshrl.u32 s17, $0x13;
	s17 =	sadd.s32 s19, s16  }
0x23: {  	s16 =	smul.u32 $0x9, s14;
	[tilespmem:s17+$0x171B0] =	vst v0  }
0x24: {  	_ = 	snop  }
0x25: {  	s14 =	smul.u32 $0x240, s14;
	s13 =	ssub.s32 s15, s16  }
0x26: {  	s13 =	sand.u32 $0xFFFF, s13  }
0x27: {  	s14 =	sshrl.u32 s14, $0x2;
	s13 =	sshll.u32 s13, $0x4  }
0x28: {  	s13 =	sadd.s32 s13, s14  }
0x29: {  	[tilespmem:s13+$0x171B0] =	vst v0  }
0x2a: {  	[spmem:s8] =	stream.linear.scatter [tilespmem:s26], [sflag:$0x3], $0x2D00, $0x38;
	[tilespmem:$0x1F8B0] =	vst v63  }
0x2b: {  	s23 =	rddreg [dreg:$0xc]  }
0x2c: {  	[spmem:s23] =	stream.linear.scatter [tilespmem:s26], [sflag:$0x3], $0x2D00, $0x38;
	[tilespmem:$0x1F8B0] =	vst v63  }
0x2d: {  	s30 =	rddreg [dreg:$0xd]  }
0x2e: {  	[spmem:s30] =	stream.linear.scatter [tilespmem:s26], [sflag:$0x3], $0x2D00, $0x38;
	[tilespmem:$0x1F8B0] =	vst v63  }
0x2f: {  	s14 =	rddreg [dreg:$0xe]  }
0x30: {  	[spmem:s14] =	stream.linear.scatter [tilespmem:s26], [sflag:$0x3], $0x2D00, $0x38;
	[tilespmem:$0x1F8B0] =	vst v63  }
0x31: {  	s15 =	rddreg [dreg:$0xf]  }
0x32: {  	[spmem:s15] =	stream.linear.scatter [tilespmem:s26], [sflag:$0x3], $0x2D00, $0x38;
	[tilespmem:$0x1F8B0] =	vst v63  }
0x33: {  	s16 =	rddreg [dreg:$0x10]  }
0x34: {  	[spmem:s16] =	stream.linear.scatter [tilespmem:s26], [sflag:$0x3], $0x2D00, $0x38;
	[tilespmem:$0x1F8B0] =	vst v63  }
0x35: {  	_ = 	snop  }
0x36: {  	[spmem:s24] =	stream.linear.scatter [tilespmem:s26], [sflag:$0x3], $0x2D00, $0x38;
	[tilespmem:$0x1F8B0] =	vst v63  }
0x37: {  	s17 =	rddreg [dreg:$0x4]  }
0x38: {  	[spmem:s17] =	stream.linear.scatter [tilespmem:s26], [sflag:$0x3], $0x2400, $0x38;
	[tilespmem:$0x1F8B0] =	vst v63  }
0x39: {  	s13 =	simm.s32 @!p0 $0x171B0  }
0x3a: {  	[spmem:s11] =	stream.linear.scatter @!p0 [tilespmem:s13], [sflag:$0x5], $0x900, $0x38;
	[tilespmem:$0x1F8B0] =	vst v63  }
0x3b: {  	s13 =	simm.s32 @!p0 $0x5  }
0x3c: {  	_ =	swait.ge @!p0 [sflag:s13], $0x900  }
0x3d: {  	[sflag:s13] =	ssyncset.done @!p0 $0x0  }
0x3e: {  	[sflag:s13] =	ssyncadd.s32 @!p0 $0xFFFFF700  }
0x3f: {  	_ =	swait.ge [sflag:s28], $0x2D00  }
0x40: {  	[sflag:s28] =	ssyncset.done $0x0  }
0x41: {  	[sflag:s28] =	ssyncadd.s32 $0xFFFFD300  }
0x42: {  	_ =	swait.ge [sflag:s28], $0x2D00  }
0x43: {  	[sflag:s28] =	ssyncset.done $0x0  }
0x44: {  	[sflag:s28] =	ssyncadd.s32 $0xFFFFD300  }
0x45: {  	_ =	swait.ge [sflag:s28], $0x2D00  }
0x46: {  	[sflag:s28] =	ssyncset.done $0x0  }
0x47: {  	[sflag:s28] =	ssyncadd.s32 $0xFFFFD300  }
0x48: {  	_ =	swait.ge [sflag:s28], $0x2D00  }
0x49: {  	[sflag:s28] =	ssyncset.done $0x0  }
0x4a: {  	[sflag:s28] =	ssyncadd.s32 $0xFFFFD300  }
0x4b: {  	_ =	swait.ge [sflag:s28], $0x2D00  }
0x4c: {  	[sflag:s28] =	ssyncset.done $0x0  }
0x4d: {  	[sflag:s28] =	ssyncadd.s32 $0xFFFFD300  }
0x4e: {  	_ =	swait.ge [sflag:s28], $0x2D00  }
0x4f: {  	[sflag:s28] =	ssyncset.done $0x0  }
0x50: {  	[sflag:s28] =	ssyncadd.s32 $0xFFFFD300  }
0x51: {  	_ =	swait.ge [sflag:s28], $0x2D00  }
0x52: {  	[sflag:s28] =	ssyncset.done $0x0  }
0x53: {  	[sflag:s28] =	ssyncadd.s32 $0xFFFFD300  }
0x54: {  	_ =	swait.ge [sflag:s28], $0x2400  }
0x55: {  	[sflag:s28] =	ssyncset.done $0x0  }
0x56: {  	[sflag:s28] =	ssyncadd.s32 $0xFFFFDC00  }
0x57: {  	[bflag:$0x0] =	sbarrier.arrive $0xFFFF  }
0x58: {  	s19 =	simm.s32 $0x15F90;
	s14 =	simm.s32 $0x0;
	s18 =	rddreg [dreg:$0x5]  }
0x59: {  	[tilespmem:s19], [sflag:$0x4] =	stream.linear.gather [hbm4b:s18+s14], $0x50, $0x38;
	[tilespmem:$0x1F8B0] =	vst v63  }
0x5a: {  	s21 =	simm.s32 $0x16120;
	s20 =	rddreg [dreg:$0x6]  }
0x5b: {  	[tilespmem:s21], [sflag:$0x4] =	stream.linear.gather [hbm4b:s20+s14], $0x50, $0x38;
	[tilespmem:$0x1F8B0] =	vst v63  }
0x5c: {  	_ =	swait.ge [sflag:s31], $0x50  }
0x5d: {  	[sflag:s31] =	ssyncset.done $0x0  }
0x5e: {  	[sflag:s31] =	ssyncadd.s32 $0xFFFFFFB0  }
0x5f: {  	_ =	swait.ge [sflag:s31], $0x50  }
0x60: {  	[sflag:s31] =	ssyncset.done $0x0  }
0x61: {  	s17 =	simm.s32 $0x15FE0;
	s22 =	rddreg [dreg:$0x7];
	[sflag:s31] =	ssyncadd.s32 $0xFFFFFFB0  }
0x62: {  	[tilespmem:s17], [sflag:$0x4] =	stream.linear.gather [hbm4b:s22+s14], $0x50, $0x38;
	[tilespmem:$0x1F8B0] =	vst v63  }
0x63: {  	s30 =	simm.s32 $0x16170;
	s23 =	rddreg [dreg:$0x8]  }
0x64: {  	[tilespmem:s30], [sflag:$0x4] =	stream.linear.gather [hbm4b:s23+s14], $0x50, $0x38;
	[tilespmem:$0x1F8B0] =	vst v63  }
0x65: {  	s13 =	simm.s32 $0x171B0  }
0x66: {  	[tilespmem:s13], [sflag:$0x1] =	stream.indirect.gather [hbm4b:s6+s0], $0x90, s19, s0, $0xb8;
	[tilespmem:$0x1F8B0] =	vst v63  }
0x67: {  	s29 =	simm.s32 $0x162B0  }
0x68: {  	[tilespmem:s29], [sflag:$0x2] =	stream.indirect.gather [hbm4b:s7+s0], $0x10, s21, s0, $0xb8;
	[tilespmem:$0x1F8B0] =	vst v63  }
.LBB2_4:
0x69: {  	p1 =	sgt.u32 s14, $0x7A  }
0x6a: {  	s15 =	sadd.s32 @!p1 $0x2, s14  }
0x6b: {  	s16 =	smul.u32 @!p1 $0xCD, s15;
	_ =	sdelay $0x1  }
0x6c: {  	s16 =	sshrl.u32 @!p1 s16, $0xA  }
0x6d: {  	s16 =	sand.u32 @!p1 $0x3F, s16  }
0x6e: {  	s16 =	smul.u32 @!p1 $0x5, s16;
	_ =	sdelay $0x1  }
0x6f: {  	s16 =	ssub.s32 @!p1 s15, s16;
	s15 =	smul.u32 @!p1 $0x50, s15  }
0x70: {  	s16 =	sand.u32 @!p1 $0xFF, s16  }
0x71: {  	s16 =	smul.u32 @!p1 $0x50, s16;
	s15 =	sadd.s32 @!p1 s9, s15  }
0x72: {  	s15 =	sshrl.u32 @!p1 s15, $0x3  }
0x73: {  	s19 =	simm.s32 @!p1 $0x0;
	s17 =	sadd.s32 @!p1 $0x15F90, s16;
	s18 =	sadd.s32 @!p1 s1, s15  }
0x74: {  	[tilespmem:s17], [sflag:$0x4] =	stream.linear.gather @!p1 [hbm4b:s18+s19], $0x50, $0x38;
	[tilespmem:$0x1F8B0] =	vst v63  }
0x75: {  	p2 =	slt.u32 @!p1 s14, $0x2;
	s16 =	sadd.s32 @!p1 $0x16120, s16;
	s15 =	sadd.s32 @!p1 s2, s15  }
0x76: {  	[tilespmem:s16], [sflag:$0x4] =	stream.linear.gather @!p1 [hbm4b:s15+s19], $0x50, $0x38;
	[tilespmem:$0x1F8B0] =	vst v63  }
0x77: {  	p1 =	por p1, !p2  }
0x78: {  	s19 =	smul.u32 $0xAB, s14;
	p2 =	seq.s32 @p1 s14, $0x7C  }
0x79: {  	s15 =	simm.s32 @p1 $0x3;
	p2 =	por !p1, !p2  }
0x7a: {  	s18 =	smul.u32 $0xCD, s14;
	_ =	swait.ge @p1 [sflag:s15], $0x2D00;
	s16 =	sadd.s32 @p2 $0xAB, s19  }
0x7b: {  	[sflag:s15] =	ssyncset.done @p1 $0x0;
	s16 =	sshrl.u32 @p2 s16, $0x9  }
0x7c: {  	[sflag:s15] =	ssyncadd.s32 @p1 $0xFFFFD300;
	s15 =	sadd.s32 @p2 $0xCD, s18;
	s16 =	sand.u32 @p2 $0x7F, s16  }
0x7d: {  	s15 =	sshrl.u32 @p2 s15, $0xA;
	s16 =	smul.u32 @p2 $0x3, s16  }
0x7e: {  	s17 =	sadd.s32 $0x1, s14;
	s15 =	sand.u32 @p2 $0x3F, s15  }
0x7f: {  	_ =	swait.ge @p2 [sflag:s31], $0x50;
	s15 =	smul.u32 @p2 $0x5, s15;
	s16 =	ssub.s32 @p2 s17, s16  }
0x80: {  	[sflag:s31] =	ssyncset.done @p2 $0x0;
	s16 =	sand.u32 @p2 $0xFF, s16  }
0x81: {  	[sflag:s31] =	ssyncadd.s32 @p2 $0xFFFFFFB0;
	s15 =	ssub.s32 @p2 s17, s15;
	s20 =	smul.u32 @p2 $0xB400, s16  }
0x82: {  	_ =	swait.ge @p2 [sflag:s31], $0x50;
	s15 =	sand.u32 @p2 $0xFF, s15;
	s16 =	smul.u32 @p2 $0x1400, s16  }
0x83: {  	[sflag:s31] =	ssyncset.done @p2 $0x0;
	s15 =	smul.u32 @p2 $0x50, s15  }
0x84: {  	[sflag:s31] =	ssyncadd.s32 @p2 $0xFFFFFFB0;
	s20 =	sshrl.u32 @p2 s20, $0x2  }
0x85: {  	s16 =	sshrl.u32 @p2 s16, $0x2;
	s21 =	sadd.s32 @p2 $0x15F90, s15;
	s20 =	sadd.s32 @p2 $0x171B0, s20  }
0x86: {  	[tilespmem:s20], [sflag:$0x1] =	stream.indirect.gather @p2 [hbm4b:s6+s0], $0x90, s21, s0, $0xb8;
	[tilespmem:$0x1F8B0] =	vst v63  }
0x87: {  	s15 =	sadd.s32 @p2 $0x16120, s15;
	s16 =	sadd.s32 @p2 $0x162B0, s16  }
0x88: {  	[tilespmem:s16], [sflag:$0x2] =	stream.indirect.gather @p2 [hbm4b:s7+s0], $0x10, s15, s0, $0xb8;
	[tilespmem:$0x1F8B0] =	vst v63  }
0x89: {  	s16 =	smulhi.u32 $0xAAAAAAAB, s14;
	_ =	sdelay $0x1  }
0x8a: {  	s15 =	sshrl.u32 s16, $0x1  }
0x8b: {  	s20 =	smul.u32 $0xFFFDE400, s15  }
0x8c: {  	_ =	swait.ge [sflag:s4], $0x2D00  }
0x8d: {  	[sflag:s4] =	ssyncset.done $0x0;
	s16 =	sshra.s32 s20, $0x2  }
0x8e: {  	[sflag:s4] =	ssyncadd.s32 $0xFFFFD300;
	s15 =	smul.u32 $0xFFFFC400, s15;
	v1 =	vmov s16  }
0x8f: {  	_ =	swait.ge [sflag:s5], $0x500  }
0x90: {  	[sflag:s5] =	ssyncset.done $0x0;
	s15 =	sshra.s32 s15, $0x2  }
0x91: {  	[sflag:s5] =	ssyncadd.s32 $0xFFFFFB00;
	s15 =	sadd.s32 s15, s29  }
0x92: {  	v2 =	vld [tilespmem:s15+$0x30]  }
0x93: {  	v0 =	vld.idx.msk [tilespmem:v1+s13+$0x230 ss:$0x1], $0xffff;
	_ =	sdelay $0x4  }
0x94: {  	v0 =	vadd.f32 v2, v0;
	_ =	sdelay $0x1  }
0x95: {  	v2 =	vmul.f32 $2.000000030e-01, v0  }
0x96: {  	vm0 =	vgt.f32 v0, $0.0e+00  }
0x97: {  	v0 =	vsel vm0, v0, v2  }
0x98: {  	v4 =	vld [tilespmem:s15+$0x0];
	v0 =	vmul.f32 $1.442695020e+00, v0  }
0x99: {  	v3 =	vld.idx.msk [tilespmem:v1+s13+$0x80 ss:$0x1], $0xffff  }
0x9a: {  	v2 =	vld.idx.msk [tilespmem:v1+s13+$0x110 ss:$0x1], $0xffff;
	(erf) = vpow2.f32 v0  }
0x9b: {  	v0 =	vld [tilespmem:s15+$0x10];
	_ =	sdelay $0x3  }
0x9c: {  	v5 =	vld.idx.msk [tilespmem:v1+s13+$0x1A0 ss:$0x1], $0xffff;
	v3 =	vadd.f32 v4, v3  }
0x9d: {  	v4 =	vld [tilespmem:s15+$0x20];
	v0 =	vadd.f32 v0, v2  }
0x9e: {  	v6 =	vld.idx.msk [tilespmem:v1+s13+$0x1B0 ss:$0x1], $0xffff;
	v2 =	vmul.f32 $2.000000030e-01, v3  }
0x9f: {  	vm10 =	vgt.f32 v3, $0.0e+00;
	v7 =	vmul.f32 $2.000000030e-01, v0  }
0xa0: {  	vm1 =	vgt.f32 v0, $0.0e+00;
	v2 =	vsel vm10, v3, v2;
	v26 =	vpop (erf)  }
0xa1: {  	v2 =	vmul.f32 $1.442695020e+00, v2;
	v0 =	vsel vm1, v0, v7;
	v3 =	vbroadcast v26, $0x0  }
0xa2: {  	v4 =	vadd.f32 v4, v5;
	v0 =	vmul.f32 $1.442695020e+00, v0  }
0xa3: {  	(erf) = vpow2.f32 v2;
	v2 =	vmul.f32 v3, v6  }
0xa4: {  	(erf) = vpow2.f32 v0;
	v0 =	vmul.f32 $2.000000030e-01, v4  }
0xa5: {  	vm11 =	vgt.f32 v4, $0.0e+00  }
0xa6: {  	[tilespmem:v1+s13+$0x1B0 ss:$0x1] =	vst.idx.msk $0xffff, v2;
	v0 =	vsel vm11, v4, v0  }
0xa7: {  	v2 =	vld.idx.msk [tilespmem:v1+s13+$0x1C0 ss:$0x1], $0xffff;
	v0 =	vmul.f32 $1.442695020e+00, v0;
	_ =	sdelay $0x1  }
0xa8: {  	(erf) = vpow2.f32 v0  }
0xa9: {  	v3 =	vbroadcast v26, $0x1;
	v4 =	vld.idx.msk [tilespmem:v1+s13+$0x0 ss:$0x1], $0xffff  }
0xaa: {  	v0 =	vld.idx.msk [tilespmem:v1+s13+$0x90 ss:$0x1], $0xffff  }
0xab: {  	s21 =	sadd.s32 $0x40, s15;
	v18 =	vpop (erf);
	v2 =	vmul.f32 v3, v2  }
0xac: {  	v15 =	vld [tilespmem:s21+$0x0];
	v3 =	vbroadcast v18, $0x0;
	v22 =	vpop (erf)  }
0xad: {  	s30 =	sadd.s32 $0x240, s13;
	v6 =	vld.idx.msk [tilespmem:v1+s13+$0x120 ss:$0x1], $0xffff;
	[tilespmem:v1+s13+$0x1C0 ss:$0x1] =	vst.idx.msk $0xffff, v2;
	v2 =	vbroadcast v22, $0x0  }
0xae: {  	v3 =	vmul.f32 v3, v4;
	v4 =	vld.idx.msk [tilespmem:v1+s30+$0x230 ss:$0x1], $0xffff  }
0xaf: {  	v0 =	vmul.f32 v2, v0;
	v2 =	vld [tilespmem:s21+$0x30]  }
0xb0: {  	v5 =	vld.idx.msk [tilespmem:v1+s13+$0x1D0 ss:$0x1], $0xffff  }
0xb1: {  	v16 =	vld [tilespmem:s21+$0x10];
	v29 =	vpop (erf)  }
0xb2: {  	v10 =	vld.idx.msk [tilespmem:v1+s30+$0x110 ss:$0x1], $0xffff;
	[tilespmem:v1+s13+$0x0 ss:$0x1] =	vst.idx.msk $0xffff, v3;
	v7 =	vbroadcast v29, $0x0  }
0xb3: {  	v12 =	vld.idx.msk [tilespmem:v1+s30+$0x80 ss:$0x1], $0xffff;
	[tilespmem:v1+s13+$0x90 ss:$0x1] =	vst.idx.msk $0xffff, v0;
	v0 =	vbroadcast v26, $0x2  }
0xb4: {  	v3 =	vld.idx.msk [tilespmem:v1+s13+$0x10 ss:$0x1], $0xffff;
	v2 =	vadd.f32 v2, v4;
	v4 =	vmul.f32 v7, v6  }
0xb5: {  	v9 =	vld.idx.msk [tilespmem:v1+s13+$0xA0 ss:$0x1], $0xffff;
	v0 =	vmul.f32 v0, v5  }
0xb6: {  	v11 =	vld.idx.msk [tilespmem:v1+s30+$0x1A0 ss:$0x1], $0xffff;
	v7 =	vmul.f32 $2.000000030e-01, v2;
	[tilespmem:v1+s13+$0x120 ss:$0x1] =	vst.idx.msk $0xffff, v4  }
0xb7: {  	[tilespmem:v1+s13+$0x1D0 ss:$0x1] =	vst.idx.msk $0xffff, v0;
	vm12 =	vgt.f32 v2, $0.0e+00;
	v21 =	vld.idx.msk [tilespmem:v1+s13+$0x130 ss:$0x1], $0xffff  }
0xb8: {  	v5 =	vbroadcast v18, $0x1;
	v6 =	vbroadcast v22, $0x1;
	v13 =	vld.idx.msk [tilespmem:v1+s13+$0x1E0 ss:$0x1], $0xffff;
	v2 =	vsel vm12, v2, v7  }
0xb9: {  	v0 =	vbroadcast v29, $0x1;
	v4 =	vld [tilespmem:s21+$0x20];
	v2 =	vmul.f32 $1.442695020e+00, v2  }
0xba: {  	v3 =	vmul.f32 v5, v3;
	v5 =	vmul.f32 v6, v9;
	v6 =	vadd.f32 v15, v12  }
0xbb: {  	(erf) = vpow2.f32 v2;
	v2 =	vbroadcast v26, $0x3  }
0xbc: {  	v9 =	vadd.f32 v16, v10;
	[tilespmem:v1+s13+$0x10 ss:$0x1] =	vst.idx.msk $0xffff, v3;
	v3 =	vmul.f32 $2.000000030e-01, v6;
	v0 =	vmul.f32 v0, v21  }
0xbd: {  	v10 =	vld.idx.msk [tilespmem:v1+s13+$0x20 ss:$0x1], $0xffff;
	vm13 =	vgt.f32 v6, $0.0e+00;
	[tilespmem:v1+s13+$0xA0 ss:$0x1] =	vst.idx.msk $0xffff, v5;
	v2 =	vmul.f32 v13, v2  }
0xbe: {  	v14 =	vbroadcast v18, $0x2;
	v4 =	vadd.f32 v4, v11;
	v3 =	vsel vm13, v6, v3;
	[tilespmem:v1+s13+$0x130 ss:$0x1] =	vst.idx.msk $0xffff, v0  }
0xbf: {  	v3 =	vmul.f32 $1.442695020e+00, v3;
	v0 =	vld.idx.msk [tilespmem:v1+s13+$0xB0 ss:$0x1], $0xffff;
	[tilespmem:v1+s13+$0x1E0 ss:$0x1] =	vst.idx.msk $0xffff, v2;
	v2 =	vmul.f32 $2.000000030e-01, v9  }
0xc0: {  	v17 =	vbroadcast v22, $0x2;
	vm14 =	vgt.f32 v9, $0.0e+00;
	v11 =	vmul.f32 $2.000000030e-01, v4  }
0xc1: {  	vm15 =	vgt.f32 v4, $0.0e+00;
	(erf) = vpow2.f32 v3;
	v12 =	vld.idx.msk [tilespmem:v1+s13+$0x1F0 ss:$0x1], $0xffff;
	v2 =	vsel vm14, v9, v2  }
0xc2: {  	v6 =	vld.idx.msk [tilespmem:v1+s30+$0x1B0 ss:$0x1], $0xffff;
	v3 =	vmul.f32 v14, v10;
	v4 =	vsel vm15, v4, v11;
	v2 =	vmul.f32 $1.442695020e+00, v2  }
0xc3: {  	v4 =	vmul.f32 $1.442695020e+00, v4;
	v9 =	vbroadcast v26, $0x4  }
0xc4: {  	v10 =	vld.idx.msk [tilespmem:v1+s13+$0x140 ss:$0x1], $0xffff;
	[tilespmem:v1+s13+$0x20 ss:$0x1] =	vst.idx.msk $0xffff, v3;
	v0 =	vmul.f32 v17, v0;
	v27 =	vpop (erf);
	(erf) = vpow2.f32 v2  }
0xc5: {  	v5 =	vbroadcast v27, $0x0;
	(erf) = vpow2.f32 v4;
	v4 =	vld.idx.msk [tilespmem:v1+s13+$0x30 ss:$0x1], $0xffff  }
0xc6: {  	v2 =	vmul.f32 v12, v9;
	v12 =	vld.idx.msk [tilespmem:v1+s30+$0x120 ss:$0x1], $0xffff  }
0xc7: {  	v19 =	vbroadcast v29, $0x2;
	[tilespmem:v1+s13+$0xB0 ss:$0x1] =	vst.idx.msk $0xffff, v0;
	v3 =	vmul.f32 v5, v6;
	v5 =	vld.idx.msk [tilespmem:v1+s30+$0x0 ss:$0x1], $0xffff  }
0xc8: {  	[tilespmem:v1+s13+$0x1F0 ss:$0x1] =	vst.idx.msk $0xffff, v2;
	v6 =	vld.idx.msk [tilespmem:v1+s30+$0x90 ss:$0x1], $0xffff  }
0xc9: {  	v10 =	vmul.f32 v19, v10;
	v2 =	vld.idx.msk [tilespmem:v1+s13+$0x200 ss:$0x1], $0xffff;
	[tilespmem:v1+s30+$0x1B0 ss:$0x1] =	vst.idx.msk $0xffff, v3  }
0xca: {  	v3 =	vld.idx.msk [tilespmem:v1+s30+$0x1C0 ss:$0x1], $0xffff;
	[tilespmem:$0x1FF80] =	vst v22  }
0xcb: {  	v20 =	vbroadcast v18, $0x3;
	[tilespmem:v1+s13+$0x140 ss:$0x1] =	vst.idx.msk $0xffff, v10  }
0xcc: {  	v17 =	vld.idx.msk [tilespmem:v1+s13+$0xC0 ss:$0x1], $0xffff;
	[tilespmem:$0x1FF90] =	vst v29  }
0xcd: {  	s15 =	sadd.s32 $0x240, s30;
	v0 =	vmul.f32 v4, v20;
	v4 =	vbroadcast v27, $0x1;
	v10 =	vld.idx.msk [tilespmem:v1+s13+$0x150 ss:$0x1], $0xffff  }
0xce: {  	s22 =	sadd.s32 $0x40, s21;
	v30 =	vbroadcast v26, $0x6;
	v48 =	vpop (erf);
	v40 =	vld.idx.msk [tilespmem:v1+s15+$0x80 ss:$0x1], $0xffff  }
0xcf: {  	v11 =	vbroadcast v26, $0x5;
	v47 =	vpop (erf);
	[tilespmem:v1+s13+$0x30 ss:$0x1] =	vst.idx.msk $0xffff, v0;
	v41 =	vld [tilespmem:s22+$0x10];
	v0 =	vmul.f32 v4, v3  }
0xd0: {  	v42 =	vld.idx.msk [tilespmem:v1+s15+$0x1A0 ss:$0x1], $0xffff;
	v46 =	vpop (erf);
	v3 =	vbroadcast v48, $0x0;
	v4 =	vbroadcast v47, $0x0  }
0xd1: {  	v2 =	vmul.f32 v2, v11;
	v11 =	vld.idx.msk [tilespmem:v1+s13+$0x40 ss:$0x1], $0xffff;
	v19 =	vbroadcast v46, $0x0;
	[tilespmem:v1+s30+$0x1C0 ss:$0x1] =	vst.idx.msk $0xffff, v0  }
0xd2: {  	v0 =	vmul.f32 v3, v5;
	v3 =	vmul.f32 v4, v6;
	v4 =	vld.idx.msk [tilespmem:v1+s30+$0x1D0 ss:$0x1], $0xffff  }
0xd3: {  	v25 =	vbroadcast v18, $0x4;
	v5 =	vmul.f32 v19, v12;
	v12 =	vld.idx.msk [tilespmem:v1+s15+$0x230 ss:$0x1], $0xffff  }
0xd4: {  	v34 =	vbroadcast v18, $0x7;
	v24 =	vbroadcast v29, $0x3;
	[tilespmem:v1+s13+$0x200 ss:$0x1] =	vst.idx.msk $0xffff, v2;
	v19 =	vld [tilespmem:s22+$0x30]  }
0xd5: {  	v28 =	vbroadcast v29, $0x6;
	v20 =	vld.idx.msk [tilespmem:v1+s13+$0x210 ss:$0x1], $0xffff;
	[tilespmem:v1+s30+$0x90 ss:$0x1] =	vst.idx.msk $0xffff, v3;
	v3 =	vbroadcast v27, $0x2  }
0xd6: {  	v36 =	vbroadcast v29, $0x7;
	v10 =	vmul.f32 v10, v24;
	v24 =	vld [tilespmem:s22+$0x0]  }
0xd7: {  	[tilespmem:v1+s30+$0x0 ss:$0x1] =	vst.idx.msk $0xffff, v0;
	v11 =	vmul.f32 v11, v25;
	v25 =	vld [tilespmem:s22+$0x20];
	v3 =	vmul.f32 v3, v4  }
0xd8: {  	v15 =	vbroadcast v29, $0x5;
	v7 =	vbroadcast v29, $0x4;
	[tilespmem:v1+s30+$0x120 ss:$0x1] =	vst.idx.msk $0xffff, v5;
	v29 =	vld.idx.msk [tilespmem:v1+s30+$0x10 ss:$0x1], $0xffff  }
0xd9: {  	v23 =	vbroadcast v22, $0x3;
	v8 =	vbroadcast v22, $0x4;
	v31 =	vld.idx.msk [tilespmem:v1+s30+$0xA0 ss:$0x1], $0xffff;
	[tilespmem:v1+s30+$0x1D0 ss:$0x1] =	vst.idx.msk $0xffff, v3;
	v3 =	vadd.f32 v19, v12  }
0xda: {  	v32 =	vbroadcast v48, $0x2;
	v39 =	vld.idx.msk [tilespmem:v1+s30+$0x130 ss:$0x1], $0xffff;
	v30 =	vmul.f32 v20, v30  }
0xdb: {  	v12 =	vmul.f32 v17, v23;
	v23 =	vld.idx.msk [tilespmem:v1+s30+$0x1E0 ss:$0x1], $0xffff;
	v33 =	vmul.f32 $2.000000030e-01, v3  }
0xdc: {  	v2 =	vbroadcast v48, $0x1;
	v6 =	vbroadcast v47, $0x1;
	[tilespmem:v1+s13+$0x150 ss:$0x1] =	vst.idx.msk $0xffff, v10;
	v4 =	vld.idx.msk [tilespmem:v1+s15+$0x110 ss:$0x1], $0xffff;
	vm4 =	vgt.f32 v3, $0.0e+00  }
0xdd: {  	v55 =	vld.idx.msk [tilespmem:v1+s15+$0x90 ss:$0x1], $0xffff;
	v0 =	vbroadcast v46, $0x1;
	[tilespmem:v1+s13+$0x210 ss:$0x1] =	vst.idx.msk $0xffff, v30;
	v30 =	vbroadcast v27, $0x3;
	v3 =	vsel vm4, v3, v33  }
0xde: {  	[tilespmem:v1+s13+$0x40 ss:$0x1] =	vst.idx.msk $0xffff, v11;
	v11 =	vld.idx.msk [tilespmem:v1+s13+$0x160 ss:$0x1], $0xffff;
	v2 =	vmul.f32 v2, v29;
	v3 =	vmul.f32 $1.442695020e+00, v3  }
0xdf: {  	v24 =	vadd.f32 v24, v40;
	v6 =	vmul.f32 v6, v31;
	v31 =	vld.idx.msk [tilespmem:v1+s13+$0x220 ss:$0x1], $0xffff;
	v0 =	vmul.f32 v0, v39  }
0xe0: {  	v25 =	vadd.f32 v25, v42;
	[tilespmem:v1+s30+$0x10 ss:$0x1] =	vst.idx.msk $0xffff, v2;
	v23 =	vmul.f32 v23, v30;
	(erf) = vpow2.f32 v3  }
0xe1: {  	v37 =	vbroadcast v47, $0x2;
	v40 =	vmul.f32 $2.000000030e-01, v24;
	[tilespmem:v1+s30+$0xA0 ss:$0x1] =	vst.idx.msk $0xffff, v6;
	v6 =	vld.idx.msk [tilespmem:v1+s15+$0x120 ss:$0x1], $0xffff;
	v4 =	vadd.f32 v41, v4  }
0xe2: {  	vm5 =	vgt.f32 v24, $0.0e+00;
	v58 =	vmul.f32 $2.000000030e-01, v25;
	v2 =	vbroadcast v26, $0x7;
	v56 =	vld.idx.msk [tilespmem:v1+s30+$0x20 ss:$0x1], $0xffff;
	[tilespmem:v1+s30+$0x1E0 ss:$0x1] =	vst.idx.msk $0xffff, v23  }
0xe3: {  	vm7 =	vgt.f32 v25, $0.0e+00;
	v24 =	vsel vm5, v24, v40;
	v23 =	vmul.f32 $2.000000030e-01, v4;
	v57 =	vld.idx.msk [tilespmem:v1+s30+$0x1F0 ss:$0x1], $0xffff  }
0xe4: {  	v24 =	vmul.f32 $1.442695020e+00, v24;
	vm6 =	vgt.f32 v4, $0.0e+00;
	v31 =	vmul.f32 v31, v2;
	v2 =	vld.idx.msk [tilespmem:v1+s30+$0xB0 ss:$0x1], $0xffff  }
0xe5: {  	[tilespmem:v1+s30+$0x130 ss:$0x1] =	vst.idx.msk $0xffff, v0;
	v0 =	vsel vm7, v25, v58;
	v25 =	vbroadcast v27, $0x4;
	v4 =	vsel vm6, v4, v23  }
0xe6: {  	[tilespmem:v1+s13+$0xC0 ss:$0x1] =	vst.idx.msk $0xffff, v12;
	v12 =	vld.idx.msk [tilespmem:v1+s30+$0x140 ss:$0x1], $0xffff;
	v0 =	vmul.f32 $1.442695020e+00, v0;
	v4 =	vmul.f32 $1.442695020e+00, v4  }
0xe7: {  	(erf) = vpow2.f32 v24;
	v24 =	vmul.f32 v32, v56;
	v23 =	vld.idx.msk [tilespmem:v1+s15+$0x1B0 ss:$0x1], $0xffff  }
0xe8: {  	v59 =	vld.idx.msk [tilespmem:v1+s13+$0xD0 ss:$0x1], $0xffff;
	(erf) = vpow2.f32 v4;
	v4 =	vmul.f32 v57, v25  }
0xe9: {  	v38 =	vbroadcast v46, $0x2;
	v3 =	vld.idx.msk [tilespmem:v1+s15+$0x0 ss:$0x1], $0xffff;
	v2 =	vmul.f32 v37, v2;
	[tilespmem:v1+s30+$0x20 ss:$0x1] =	vst.idx.msk $0xffff, v24;
	v43 =	vpop (erf)  }
0xea: {  	v25 =	vld.idx.msk [tilespmem:v1+s13+$0x50 ss:$0x1], $0xffff;
	(erf) = vpow2.f32 v0;
	[tilespmem:v1+s30+$0x1F0 ss:$0x1] =	vst.idx.msk $0xffff, v4;
	v0 =	vbroadcast v43, $0x0  }
0xeb: {  	v61 =	vbroadcast v22, $0x6;
	v12 =	vmul.f32 v38, v12;
	[tilespmem:v1+s30+$0xB0 ss:$0x1] =	vst.idx.msk $0xffff, v2;
	v4 =	vld.idx.msk [tilespmem:v1+s30+$0x200 ss:$0x1], $0xffff  }
0xec: {  	v35 =	vbroadcast v22, $0x7;
	v0 =	vmul.f32 v0, v23;
	v23 =	vld.idx.msk [tilespmem:v1+s30+$0x30 ss:$0x1], $0xffff;
	[tilespmem:$0x1FFA0] =	vst v48  }
0xed: {  	v16 =	vbroadcast v22, $0x5;
	v14 =	vbroadcast v18, $0x6;
	[tilespmem:v1+s30+$0x140 ss:$0x1] =	vst.idx.msk $0xffff, v12  }
0xee: {  	v9 =	vbroadcast v18, $0x5;
	v2 =	vmul.f32 v59, v8;
	v24 =	vld.idx.msk [tilespmem:v1+s30+$0xC0 ss:$0x1], $0xffff;
	[tilespmem:v1+s15+$0x1B0 ss:$0x1] =	vst.idx.msk $0xffff, v0  }
0xef: {  	v0 =	vmul.f32 v11, v7;
	v7 =	vbroadcast v27, $0x5;
	v11 =	vld.idx.msk [tilespmem:v1+s15+$0x1C0 ss:$0x1], $0xffff;
	[tilespmem:$0x1FFB0] =	vst v47  }
0xf0: {  	v5 =	vbroadcast v48, $0x3;
	v9 =	vmul.f32 v25, v9;
	[tilespmem:v1+s13+$0xD0 ss:$0x1] =	vst.idx.msk $0xffff, v2  }
0xf1: {  	v22 =	vbroadcast v47, $0x3;
	v37 =	vld.idx.msk [tilespmem:v1+s30+$0x150 ss:$0x1], $0xffff;
	[tilespmem:v1+s13+$0x160 ss:$0x1] =	vst.idx.msk $0xffff, v0;
	v4 =	vmul.f32 v4, v7  }
0xf2: {  	v45 =	vbroadcast v47, $0x6;
	[tilespmem:v1+s13+$0x50 ss:$0x1] =	vst.idx.msk $0xffff, v9;
	v2 =	vld.idx.msk [tilespmem:v1+s13+$0xE0 ss:$0x1], $0xffff;
	v5 =	vmul.f32 v23, v5  }
0xf3: {  	v21 =	vbroadcast v46, $0x3;
	v44 =	vbroadcast v46, $0x6;
	v23 =	vld.idx.msk [tilespmem:v1+s13+$0x170 ss:$0x1], $0xffff;
	[tilespmem:v1+s30+$0x200 ss:$0x1] =	vst.idx.msk $0xffff, v4  }
0xf4: {  	v10 =	vbroadcast v48, $0x7;
	v20 =	vbroadcast v48, $0x4;
	v8 =	vpop (erf);
	v0 =	vld.idx.msk [tilespmem:v1+s13+$0x60 ss:$0x1], $0xffff;
	[tilespmem:v1+s30+$0x30 ss:$0x1] =	vst.idx.msk $0xffff, v5  }
0xf5: {  	v19 =	vbroadcast v47, $0x4;
	v25 =	vbroadcast v8, $0x0;
	v5 =	vld.idx.msk [tilespmem:v1+s30+$0x210 ss:$0x1], $0xffff;
	[tilespmem:$0x1FFC0] =	vst v46  }
0xf6: {  	s16 =	sadd.s32 $0x240, s15;
	v17 =	vbroadcast v46, $0x4;
	v60 =	vbroadcast v43, $0x1;
	v7 =	vpop (erf);
	v63 =	vld.idx.msk [tilespmem:v1+s30+$0x40 ss:$0x1], $0xffff  }
0xf7: {  	s23 =	sadd.s32 $0x40, s22;
	v3 =	vmul.f32 v25, v3;
	v9 =	vmov v8;
	v62 =	vbroadcast v7, $0x0;
	v8 =	vpop (erf);
	v53 =	vld.idx.msk [tilespmem:v1+s16+$0x230 ss:$0x1], $0xffff  }
0xf8: {  	v4 =	vbroadcast v8, $0x0;
	v25 =	vmul.f32 v60, v11;
	v54 =	vld [tilespmem:s23+$0x30]  }
0xf9: {  	v29 =	vbroadcast v47, $0x5;
	v57 =	vmul.f32 v62, v55;
	[tilespmem:v1+s15+$0x0 ss:$0x1] =	vst.idx.msk $0xffff, v3;
	v55 =	vld.idx.msk [tilespmem:v1+s16+$0x110 ss:$0x1], $0xffff  }
0xfa: {  	v59 =	vbroadcast v27, $0x6;
	v4 =	vmul.f32 v4, v6;
	v6 =	vld.idx.msk [tilespmem:v1+s15+$0x10 ss:$0x1], $0xffff;
	[tilespmem:v1+s15+$0x1C0 ss:$0x1] =	vst.idx.msk $0xffff, v25  }
0xfb: {  	v33 =	vbroadcast v48, $0x5;
	v30 =	vbroadcast v46, $0x5;
	v58 =	vld.idx.msk [tilespmem:v1+s15+$0x1D0 ss:$0x1], $0xffff  }
0xfc: {  	v32 =	vbroadcast v48, $0x6;
	v56 =	vld.idx.msk [tilespmem:v1+s16+$0x80 ss:$0x1], $0xffff;
	[tilespmem:v1+s15+$0x120 ss:$0x1] =	vst.idx.msk $0xffff, v4;
	v5 =	vmul.f32 v5, v59  }
0xfd: {  	v42 =	vbroadcast v8, $0x1;
	v3 =	vbroadcast v9, $0x1;
	[tilespmem:v1+s15+$0x90 ss:$0x1] =	vst.idx.msk $0xffff, v57;
	v50 =	vld.idx.msk [tilespmem:v1+s15+$0x130 ss:$0x1], $0xffff  }
0xfe: {  	v62 =	vbroadcast v43, $0x2;
	v60 =	vld.idx.msk [tilespmem:v1+s15+$0xA0 ss:$0x1], $0xffff;
	[tilespmem:v1+s30+$0x210 ss:$0x1] =	vst.idx.msk $0xffff, v5;
	v5 =	vmul.f32 v24, v22  }
0xff: {  	v24 =	vmul.f32 v37, v21;
	v41 =	vmul.f32 v63, v20;
	v22 =	vld.idx.msk [tilespmem:v1+s30+$0x220 ss:$0x1], $0xffff  }
0x100: {  	v63 =	vadd.f32 v54, v53;
	v3 =	vmul.f32 v3, v6;
	v6 =	vld.idx.msk [tilespmem:v1+s16+$0x1A0 ss:$0x1], $0xffff;
	v21 =	vmul.f32 v62, v58  }
0x101: {  	v12 =	vbroadcast v47, $0x7;
	v49 =	vbroadcast v9, $0x2;
	v58 =	vld [tilespmem:s23+$0x20]  }
0x102: {  	v57 =	vmul.f32 $2.000000030e-01, v63;
	[tilespmem:v1+s15+$0x1D0 ss:$0x1] =	vst.idx.msk $0xffff, v21;
	v42 =	vmul.f32 v42, v50;
	v50 =	vld [tilespmem:s23+$0x0]  }
0x103: {  	v25 =	vbroadcast v7, $0x1;
	[tilespmem:v1+s30+$0xC0 ss:$0x1] =	vst.idx.msk $0xffff, v5;
	v5 =	vbroadcast v27, $0x7;
	vm8 =	vgt.f32 v63, $0.0e+00;
	v53 =	vld.idx.msk [tilespmem:v1+s15+$0x1E0 ss:$0x1], $0xffff  }
0x104: {  	v2 =	vmul.f32 v2, v16;
	v15 =	vmul.f32 v23, v15;
	v54 =	vld [tilespmem:s23+$0x10];
	v16 =	vsel vm8, v63, v57  }
0x105: {  	v59 =	vld.idx.msk [tilespmem:v1+s16+$0x0 ss:$0x1], $0xffff;
	v40 =	vmul.f32 v22, v5;
	v5 =	vmul.f32 $1.442695020e+00, v16  }
0x106: {  	v25 =	vmul.f32 v25, v60;
	[tilespmem:v1+s15+$0x10 ss:$0x1] =	vst.idx.msk $0xffff, v3;
	v3 =	vld.idx.msk [tilespmem:v1+s16+$0x90 ss:$0x1], $0xffff;
	v57 =	vbroadcast v43, $0x3  }
0x107: {  	v51 =	vbroadcast v8, $0x2;
	[tilespmem:v1+s30+$0x150 ss:$0x1] =	vst.idx.msk $0xffff, v24;
	v6 =	vadd.f32 v58, v6;
	(erf) = vpow2.f32 v5;
	v5 =	vld.idx.msk [tilespmem:v1+s15+$0x20 ss:$0x1], $0xffff  }
0x108: {  	v60 =	vld.idx.msk [tilespmem:v1+s16+$0x120 ss:$0x1], $0xffff;
	[tilespmem:v1+s15+$0xA0 ss:$0x1] =	vst.idx.msk $0xffff, v25;
	v25 =	vadd.f32 v50, v56;
	v16 =	vmul.f32 v53, v57  }
0x109: {  	v4 =	vbroadcast v7, $0x2;
	v23 =	vld.idx.msk [tilespmem:v1+s15+$0xB0 ss:$0x1], $0xffff;
	[tilespmem:v1+s15+$0x130 ss:$0x1] =	vst.idx.msk $0xffff, v42;
	v24 =	vmul.f32 $2.000000030e-01, v6;
	v57 =	vadd.f32 v54, v55  }
0x10a: {  	vm11 =	vgt.f32 v6, $0.0e+00;
	v54 =	vld.idx.msk [tilespmem:v1+s15+$0x140 ss:$0x1], $0xffff;
	vm9 =	vgt.f32 v25, $0.0e+00;
	[tilespmem:v1+s15+$0x1E0 ss:$0x1] =	vst.idx.msk $0xffff, v16;
	v16 =	vmul.f32 $2.000000030e-01, v25  }
0x10b: {  	[tilespmem:v1+s13+$0xE0 ss:$0x1] =	vst.idx.msk $0xffff, v2;
	v6 =	vsel vm11, v6, v24;
	v24 =	vbroadcast v43, $0x4;
	v62 =	vmul.f32 $2.000000030e-01, v57;
	v63 =	vld.idx.msk [tilespmem:v1+s15+$0x1F0 ss:$0x1], $0xffff  }
0x10c: {  	v58 =	vld.idx.msk [tilespmem:v1+s30+$0x160 ss:$0x1], $0xffff;
	vm10 =	vgt.f32 v57, $0.0e+00;
	v2 =	vmul.f32 v49, v5;
	v16 =	vsel vm9, v25, v16  }
0x10d: {  	[tilespmem:v1+s30+$0x40 ss:$0x1] =	vst.idx.msk $0xffff, v41;
	v6 =	vmul.f32 $1.442695020e+00, v6;
	v25 =	vsel vm10, v57, v62;
	v57 =	vld.idx.msk [tilespmem:v1+s30+$0xD0 ss:$0x1], $0xffff;
	v16 =	vmul.f32 $1.442695020e+00, v16  }
0x10e: {  	v62 =	vld.idx.msk [tilespmem:v1+s16+$0x1B0 ss:$0x1], $0xffff;
	v25 =	vmul.f32 $1.442695020e+00, v25;
	[tilespmem:v1+s15+$0x20 ss:$0x1] =	vst.idx.msk $0xffff, v2;
	v2 =	vmul.f32 v4, v23  }
0x10f: {  	[tilespmem:v1+s13+$0x170 ss:$0x1] =	vst.idx.msk $0xffff, v15;
	v5 =	vld.idx.msk [tilespmem:v1+s30+$0x50 ss:$0x1], $0xffff;
	(erf) = vpow2.f32 v16;
	v16 =	vmul.f32 v51, v54  }
0x110: {  	v4 =	vld.idx.msk [tilespmem:v1+s13+$0x180 ss:$0x1], $0xffff;
	(erf) = vpow2.f32 v25;
	v15 =	vmul.f32 v63, v24;
	v24 =	vpop (erf)  }
0x111: {  	v56 =	vld.idx.msk [tilespmem:v1+s15+$0x30 ss:$0x1], $0xffff;
	[tilespmem:v1+s15+$0xB0 ss:$0x1] =	vst.idx.msk $0xffff, v2;
	(erf) = vpow2.f32 v6;
	v6 =	vbroadcast v24, $0x0  }
0x112: {  	v52 =	vbroadcast v9, $0x3;
	v63 =	vld.idx.msk [tilespmem:v1+s13+$0xF0 ss:$0x1], $0xffff;
	[tilespmem:v1+s15+$0x1F0 ss:$0x1] =	vst.idx.msk $0xffff, v15;
	v15 =	vmul.f32 v57, v19  }
0x113: {  	v48 =	vbroadcast v9, $0x5;
	v41 =	vld.idx.msk [tilespmem:v1+s15+$0xC0 ss:$0x1], $0xffff;
	[tilespmem:v1+s15+$0x140 ss:$0x1] =	vst.idx.msk $0xffff, v16;
	v6 =	vmul.f32 v6, v62  }
0x114: {  	v38 =	vbroadcast v7, $0x3;
	v47 =	vbroadcast v7, $0x4;
	v42 =	vld.idx.msk [tilespmem:v1+s15+$0x150 ss:$0x1], $0xffff;
	[tilespmem:v1+s30+$0xD0 ss:$0x1] =	vst.idx.msk $0xffff, v15  }
0x115: {  	v11 =	vbroadcast v46, $0x7;
	v21 =	vbroadcast v7, $0x5;
	v2 =	vld.idx.msk [tilespmem:v1+s15+$0x200 ss:$0x1], $0xffff;
	[tilespmem:v1+s16+$0x1B0 ss:$0x1] =	vst.idx.msk $0xffff, v6  }
0x116: {  	v23 =	vbroadcast v7, $0x6;
	v6 =	vld.idx.msk [tilespmem:v1+s30+$0xE0 ss:$0x1], $0xffff;
	[tilespmem:$0x1FFD0] =	vst v7;
	v7 =	vbroadcast v7, $0x7  }
0x117: {  	v0 =	vmul.f32 v0, v14;
	v14 =	vmul.f32 v58, v17  }
0x118: {  	v39 =	vbroadcast v8, $0x3;
	v46 =	vbroadcast v8, $0x4;
	[tilespmem:$0x1FFE0] =	vst v7  }
0x119: {  	v37 =	vbroadcast v9, $0x4;
	v5 =	vmul.f32 v5, v33;
	[tilespmem:v1+s30+$0x160 ss:$0x1] =	vst.idx.msk $0xffff, v14  }
0x11a: {  	v20 =	vbroadcast v8, $0x5;
	v22 =	vbroadcast v9, $0x6;
	v33 =	vld.idx.msk [tilespmem:v1+s16+$0x1C0 ss:$0x1], $0xffff;
	[tilespmem:$0x1FFF0] =	vst v8  }
0x11b: {  	s20 =	sadd.s32 $0x240, s16;
	v17 =	vbroadcast v8, $0x7;
	v25 =	vbroadcast v8, $0x6;
	[tilespmem:v1+s30+$0x50 ss:$0x1] =	vst.idx.msk $0xffff, v5;
	v5 =	vld.idx.msk [tilespmem:v1+s30+$0x170 ss:$0x1], $0xffff  }
0x11c: {  	s21 =	sadd.s32 $0x40, s23;
	v57 =	vmul.f32 v56, v52;
	v58 =	vmul.f32 v63, v61;
	v53 =	vld.idx.msk [tilespmem:v1+s20+$0x230 ss:$0x1], $0xffff  }
0x11d: {  	v7 =	vbroadcast v43, $0x5;
	v14 =	vpop (erf);
	v6 =	vmul.f32 v6, v29;
	[tilespmem:v1+s13+$0x60 ss:$0x1] =	vst.idx.msk $0xffff, v0;
	v29 =	vld [tilespmem:s21+$0x10]  }
0x11e: {  	v19 =	vbroadcast v9, $0x7;
	v0 =	vbroadcast v14, $0x0;
	[tilespmem:v1+s15+$0x30 ss:$0x1] =	vst.idx.msk $0xffff, v57;
	v51 =	vld.idx.msk [tilespmem:v1+s30+$0x60 ss:$0x1], $0xffff  }
0x11f: {  	v4 =	vmul.f32 v4, v28;
	v2 =	vmul.f32 v2, v7;
	v8 =	vpop (erf);
	[tilespmem:v1+s13+$0xF0 ss:$0x1] =	vst.idx.msk $0xffff, v58;
	v49 =	vld.idx.msk [tilespmem:v1+s13+$0x70 ss:$0x1], $0xffff  }
0x120: {  	v62 =	vbroadcast v8, $0x0;
	[tilespmem:v1+s13+$0x220 ss:$0x1] =	vst.idx.msk $0xffff, v31;
	v54 =	vld.idx.msk [tilespmem:v1+s15+$0x40 ss:$0x1], $0xffff;
	v0 =	vmul.f32 v0, v59  }
0x121: {  	v61 =	vbroadcast v24, $0x1;
	[tilespmem:v1+s15+$0x200 ss:$0x1] =	vst.idx.msk $0xffff, v2;
	v50 =	vld.idx.msk [tilespmem:v1+s13+$0x100 ss:$0x1], $0xffff;
	v59 =	vmul.f32 v42, v39  }
0x122: {  	v56 =	vbroadcast v14, $0x2;
	v7 =	vpop (erf);
	v63 =	vld.idx.msk [tilespmem:v1+s15+$0x210 ss:$0x1], $0xffff;
	v3 =	vmul.f32 v62, v3;
	[tilespmem:v1+s16+$0x0 ss:$0x1] =	vst.idx.msk $0xffff, v0  }
0x123: {  	v58 =	vbroadcast v8, $0x2;
	v2 =	vbroadcast v7, $0x0;
	[tilespmem:v1+s15+$0x150 ss:$0x1] =	vst.idx.msk $0xffff, v59;
	v59 =	vld.idx.msk [tilespmem:v1+s20+$0x90 ss:$0x1], $0xffff  }
0x124: {  	v55 =	vbroadcast v7, $0x1;
	v33 =	vmul.f32 v61, v33;
	[tilespmem:v1+s16+$0x90 ss:$0x1] =	vst.idx.msk $0xffff, v3;
	v28 =	vld.idx.msk [tilespmem:v1+s16+$0x10 ss:$0x1], $0xffff  }
0x125: {  	[tilespmem:v1+s13+$0x180 ss:$0x1] =	vst.idx.msk $0xffff, v4;
	v42 =	vbroadcast v7, $0x3;
	v61 =	vbroadcast v43, $0x6;
	v57 =	vld.idx.msk [tilespmem:v1+s16+$0xA0 ss:$0x1], $0xffff  }
0x126: {  	v2 =	vmul.f32 v2, v60;
	[tilespmem:v1+s16+$0x1C0 ss:$0x1] =	vst.idx.msk $0xffff, v33;
	v4 =	vmul.f32 v5, v30;
	v5 =	vld [tilespmem:s21+$0x20]  }
0x127: {  	[tilespmem:v1+s30+$0x220 ss:$0x1] =	vst.idx.msk $0xffff, v40;
	v39 =	vbroadcast v14, $0x4;
	v3 =	vld.idx.msk [tilespmem:v1+s16+$0x1D0 ss:$0x1], $0xffff;
	v54 =	vmul.f32 v54, v37  }
0x128: {  	[tilespmem:v1+s16+$0x120 ss:$0x1] =	vst.idx.msk $0xffff, v2;
	v2 =	vmul.f32 v41, v38;
	v38 =	vld [tilespmem:s21+$0x30];
	v52 =	vmul.f32 v63, v61  }
0x129: {  	v62 =	vbroadcast v43, $0x7;
	v40 =	vbroadcast v7, $0x4;
	v63 =	vld [tilespmem:s21+$0x0];
	[tilespmem:v1+s15+$0x40 ss:$0x1] =	vst.idx.msk $0xffff, v54  }
0x12a: {  	v0 =	vbroadcast v14, $0x1;
	v41 =	vbroadcast v24, $0x2;
	[tilespmem:v1+s15+$0x210 ss:$0x1] =	vst.idx.msk $0xffff, v52;
	v52 =	vld.idx.msk [tilespmem:v1+s16+$0x130 ss:$0x1], $0xffff  }
0x12b: {  	v60 =	vbroadcast v7, $0x2;
	v33 =	vbroadcast v8, $0x1;
	[tilespmem:v1+s30+$0x170 ss:$0x1] =	vst.idx.msk $0xffff, v4;
	v4 =	vld.idx.msk [tilespmem:v1+s15+$0x50 ss:$0x1], $0xffff  }
0x12c: {  	[tilespmem:v1+s13+$0x230 ss:$0x1] =	vst.idx.msk $0xffff, v26;
	v0 =	vmul.f32 v0, v28;
	v28 =	vld.idx.msk [tilespmem:v1+s15+$0x220 ss:$0x1], $0xffff;
	v3 =	vmul.f32 v41, v3  }
0x12d: {  	[tilespmem:v1+s30+$0x230 ss:$0x1] =	vst.idx.msk $0xffff, v27;
	v51 =	vmul.f32 v51, v32;
	v33 =	vmul.f32 v33, v57;
	v57 =	vld.idx.msk [tilespmem:v1+s20+$0x110 ss:$0x1], $0xffff  }
0x12e: {  	v37 =	vbroadcast v8, $0x4;
	v32 =	vbroadcast v7, $0x5;
	v31 =	vadd.f32 v38, v53;
	[tilespmem:v1+s16+$0x1D0 ss:$0x1] =	vst.idx.msk $0xffff, v3;
	v3 =	vld.idx.msk [tilespmem:v1+s20+$0x80 ss:$0x1], $0xffff  }
0x12f: {  	v49 =	vmul.f32 v49, v34;
	v61 =	vbroadcast v14, $0x3;
	[tilespmem:v1+s15+$0xC0 ss:$0x1] =	vst.idx.msk $0xffff, v2;
	v38 =	vld.idx.msk [tilespmem:v1+s16+$0x1E0 ss:$0x1], $0xffff  }
0x130: {  	v2 =	vld.idx.msk [tilespmem:v1+s13+$0x190 ss:$0x1], $0xffff;
	[tilespmem:v1+s16+$0x10 ss:$0x1] =	vst.idx.msk $0xffff, v0;
	v26 =	vmul.f32 v55, v52;
	v55 =	vmul.f32 $2.000000030e-01, v31  }
0x131: {  	v41 =	vbroadcast v8, $0x3;
	[tilespmem:v1+s16+$0xA0 ss:$0x1] =	vst.idx.msk $0xffff, v33;
	vm12 =	vgt.f32 v31, $0.0e+00;
	v27 =	vmul.f32 v28, v62;
	v28 =	vld.idx.msk [tilespmem:v1+s20+$0x1A0 ss:$0x1], $0xffff  }
0x132: {  	v33 =	vbroadcast v14, $0x6;
	v30 =	vsel vm12, v31, v55;
	v31 =	vbroadcast v24, $0x3;
	[tilespmem:v1+s16+$0x130 ss:$0x1] =	vst.idx.msk $0xffff, v26;
	v55 =	vld.idx.msk [tilespmem:v1+s15+$0x160 ss:$0x1], $0xffff  }
0x133: {  	v4 =	vmul.f32 v4, v48;
	v29 =	vadd.f32 v29, v57;
	v30 =	vmul.f32 $1.442695020e+00, v30;
	v54 =	vld.idx.msk [tilespmem:v1+s16+$0x140 ss:$0x1], $0xffff  }
0x134: {  	[tilespmem:v1+s15+$0x220 ss:$0x1] =	vst.idx.msk $0xffff, v27;
	v27 =	vbroadcast v14, $0x7;
	v3 =	vadd.f32 v63, v3;
	v52 =	vmul.f32 v38, v31  }
0x135: {  	[tilespmem:v1+s30+$0xE0 ss:$0x1] =	vst.idx.msk $0xffff, v6;
	v57 =	vld.idx.msk [tilespmem:v1+s16+$0x20 ss:$0x1], $0xffff;
	vm14 =	vgt.f32 v29, $0.0e+00;
	v38 =	vbroadcast v14, $0x5;
	(erf) = vpow2.f32 v30  }
0x136: {  	[tilespmem:v1+s30+$0x60 ss:$0x1] =	vst.idx.msk $0xffff, v51;
	v51 =	vld.idx.msk [tilespmem:v1+s30+$0xF0 ss:$0x1], $0xffff;
	v30 =	vmul.f32 $2.000000030e-01, v3;
	v5 =	vadd.f32 v5, v28;
	v28 =	vmul.f32 $2.000000030e-01, v29  }
0x137: {  	v0 =	vld.idx.msk [tilespmem:v1+s20+$0x120 ss:$0x1], $0xffff;
	v31 =	vbroadcast v8, $0x5;
	vm13 =	vgt.f32 v3, $0.0e+00;
	[tilespmem:v1+s16+$0x1E0 ss:$0x1] =	vst.idx.msk $0xffff, v52;
	v46 =	vmul.f32 v55, v46  }
0x138: {  	v3 =	vsel vm13, v3, v30;
	v26 =	vld.idx.msk [tilespmem:v1+s16+$0x1F0 ss:$0x1], $0xffff;
	v28 =	vsel vm14, v29, v28;
	v29 =	vmul.f32 $2.000000030e-01, v5  }
0x139: {  	v52 =	vld.idx.msk [tilespmem:v1+s16+$0xB0 ss:$0x1], $0xffff;
	v54 =	vmul.f32 v60, v54;
	v3 =	vmul.f32 $1.442695020e+00, v3  }
0x13a: {  	v62 =	vld.idx.msk [tilespmem:v1+s20+$0x0 ss:$0x1], $0xffff;
	vm15 =	vgt.f32 v5, $0.0e+00;
	v6 =	vmul.f32 $1.442695020e+00, v28;
	v28 =	vmul.f32 v56, v57  }
0x13b: {  	v63 =	vld.idx.msk [tilespmem:v1+s20+$0x1B0 ss:$0x1], $0xffff;
	v57 =	vbroadcast v24, $0x4;
	v5 =	vsel vm15, v5, v29;
	(erf) = vpow2.f32 v3  }
0x13c: {  	v30 =	vbroadcast v8, $0x6;
	[tilespmem:v1+s15+$0x160 ss:$0x1] =	vst.idx.msk $0xffff, v46;
	v3 =	vld.idx.msk [tilespmem:v1+s15+$0xD0 ss:$0x1], $0xffff;
	v5 =	vmul.f32 $1.442695020e+00, v5  }
0x13d: {  	[tilespmem:v1+s16+$0x140 ss:$0x1] =	vst.idx.msk $0xffff, v54;
	v54 =	vld.idx.msk [tilespmem:v1+s15+$0x170 ss:$0x1], $0xffff;
	(erf) = vpow2.f32 v6;
	v6 =	vmul.f32 v26, v57  }
0x13e: {  	[tilespmem:v1+s15+$0x230 ss:$0x1] =	vst.idx.msk $0xffff, v43;
	(erf) = vpow2.f32 v5;
	v5 =	vmul.f32 v58, v52;
	v52 =	vld.idx.msk [tilespmem:v1+s30+$0x180 ss:$0x1], $0xffff  }
0x13f: {  	v29 =	vbroadcast v7, $0x6;
	[tilespmem:v1+s16+$0x20 ss:$0x1] =	vst.idx.msk $0xffff, v28;
	v28 =	vbroadcast v7, $0x7;
	v56 =	vld.idx.msk [tilespmem:v1+s16+$0x150 ss:$0x1], $0xffff;
	v43 =	vpop (erf)  }
0x140: {  	v26 =	vbroadcast v8, $0x7;
	v60 =	vbroadcast v43, $0x0;
	[tilespmem:v1+s16+$0x1F0 ss:$0x1] =	vst.idx.msk $0xffff, v6;
	v6 =	vld.idx.msk [tilespmem:v1+s16+$0x30 ss:$0x1], $0xffff  }
0x141: {  	v57 =	vmul.f32 v50, v35;
	[tilespmem:v1+s16+$0xB0 ss:$0x1] =	vst.idx.msk $0xffff, v5;
	v3 =	vmul.f32 v3, v47;
	v5 =	vld.idx.msk [tilespmem:v1+s16+$0x200 ss:$0x1], $0xffff  }
0x142: {  	[tilespmem:v1+s15+$0x50 ss:$0x1] =	vst.idx.msk $0xffff, v4;
	v55 =	vld.idx.msk [tilespmem:v1+s16+$0xC0 ss:$0x1], $0xffff;
	v47 =	vmul.f32 v2, v36;
	v63 =	vmul.f32 v60, v63  }
0x143: {  	[tilespmem:v1+s15+$0xD0 ss:$0x1] =	vst.idx.msk $0xffff, v3;
	v3 =	vmul.f32 v51, v45;
	v36 =	vmul.f32 v52, v44;
	v44 =	vld.idx.msk [tilespmem:v1+s30+$0x70 ss:$0x1], $0xffff  }
0x144: {  	v51 =	vbroadcast v24, $0x5;
	v52 =	vbroadcast v43, $0x1;
	[tilespmem:v1+s20+$0x1B0 ss:$0x1] =	vst.idx.msk $0xffff, v63;
	v53 =	vld.idx.msk [tilespmem:v1+s15+$0xE0 ss:$0x1], $0xffff;
	v45 =	vpop (erf)  }
0x145: {  	s19 =	sshrl.u32 s19, $0x9;
	v2 =	vld.idx.msk [tilespmem:v1+s20+$0x1C0 ss:$0x1], $0xffff;
	v6 =	vmul.f32 v6, v61;
	[tilespmem:v1+s30+$0xF0 ss:$0x1] =	vst.idx.msk $0xffff, v3;
	v4 =	vbroadcast v45, $0x0  }
0x146: {  	s19 =	sand.u32 $0x7F, s19;
	[tilespmem:v1+s30+$0x180 ss:$0x1] =	vst.idx.msk $0xffff, v36;
	v34 =	vpop (erf);
	v5 =	vmul.f32 v5, v51;
	v51 =	vld.idx.msk [tilespmem:v1+s15+$0x60 ss:$0x1], $0xffff;
	v58 =	vbroadcast v45, $0x1  }
0x147: {  	s19 =	smul.u32 $0x3, s19;
	v46 =	vld.idx.msk [tilespmem:v1+s30+$0x100 ss:$0x1], $0xffff;
	v48 =	vbroadcast v45, $0x3;
	v3 =	vbroadcast v34, $0x0;
	v35 =	vpop (erf);
	[tilespmem:v1+s16+$0x30 ss:$0x1] =	vst.idx.msk $0xffff, v6  }
0x148: {  	s18 =	sshrl.u32 s18, $0xA;
	v36 =	vld.idx.msk [tilespmem:v1+s30+$0x190 ss:$0x1], $0xffff;
	v6 =	vbroadcast v35, $0x0;
	[tilespmem:v1+s16+$0x200 ss:$0x1] =	vst.idx.msk $0xffff, v5;
	v4 =	vmul.f32 v4, v62  }
0x149: {  	s18 =	sand.u32 $0x3F, s18;
	s19 =	ssub.s32 s14, s19;
	[tilespmem:v1+s13+$0x70 ss:$0x1] =	vst.idx.msk $0xffff, v49;
	v50 =	vbroadcast v34, $0x2;
	v3 =	vmul.f32 v3, v59;
	v5 =	vld.idx.msk [tilespmem:v1+s16+$0x210 ss:$0x1], $0xffff  }
0x14a: {  	s18 =	smul.u32 $0x5, s18;
	s19 =	sand.u32 $0xFF, s19;
	v60 =	vld.idx.msk [tilespmem:v1+s16+$0x40 ss:$0x1], $0xffff;
	v0 =	vmul.f32 v6, v0;
	v6 =	vmul.f32 v52, v2;
	[tilespmem:v1+s20+$0x0 ss:$0x1] =	vst.idx.msk $0xffff, v4  }
0x14b: {  	s19 =	smul.u32 $0xB400, s19;
	v49 =	vbroadcast v35, $0x2;
	v61 =	vbroadcast v35, $0x3;
	v59 =	vld.idx.msk [tilespmem:v1+s20+$0x10 ss:$0x1], $0xffff;
	[tilespmem:v1+s20+$0x90 ss:$0x1] =	vst.idx.msk $0xffff, v3  }
0x14c: {  	s22 =	ssub.s32 s14, s18;
	v4 =	vbroadcast v34, $0x1;
	[tilespmem:v1+s20+$0x1C0 ss:$0x1] =	vst.idx.msk $0xffff, v6;
	v6 =	vbroadcast v24, $0x6;
	v3 =	vld.idx.msk [tilespmem:v1+s20+$0xA0 ss:$0x1], $0xffff  }
0x14d: {  	s14 =	sand.u32 $0xFF, s22;
	s22 =	simm.s32 $0x10;
	s23 =	sshrl.u32 s19, $0x2;
	v15 =	vmov v8;
	v2 =	vbroadcast v35, $0x1;
	v52 =	vbroadcast v45, $0x2;
	[tilespmem:v1+s20+$0x120 ss:$0x1] =	vst.idx.msk $0xffff, v0;
	v62 =	vld.idx.msk [tilespmem:v1+s20+$0x1D0 ss:$0x1], $0xffff  }
0x14e: {  	s19 =	smov.u32 s13;
	s18 =	sadd.s32 $0x171B0, s23;
	s23 =	sadd.s32 $0x240, s20;
	v16 =	vmov v7;
	[tilespmem:v1+s13+$0x80 ss:$0x1] =	vst.idx.msk $0xffff, v18;
	v0 =	vbroadcast v34, $0x3;
	v6 =	vmul.f32 v5, v6;
	v5 =	vld.idx.msk [tilespmem:v1+s20+$0x130 ss:$0x1], $0xffff  }
.LBB2_5:
0x14f: {  	v63 =	vld.idx.msk [tilespmem:v1+s23+$0x230 ss:$0x1], $0xffff;
	s21 =	sadd.s32 $0x40, s21  }
0x150: {  	v8 =	vmul.f32 v55, v41;
	v55 =	vld [tilespmem:s21+$0x30]  }
0x151: {  	[tilespmem:v1+s16+$0x210 ss:$0x1] =	vst.idx.msk $0xffff, v6;
	v6 =	vld [tilespmem:$0x1FFA0];
	_ =	sdelay $0x2  }
0x152: {  	v42 =	vmul.f32 v56, v42;
	[tilespmem:v1+s19+$0x100 ss:$0x1] =	vst.idx.msk $0xffff, v57;
	v41 =	vbroadcast v43, $0x2  }
0x153: {  	v56 =	vbroadcast v45, $0x4;
	v13 =	vmov v11;
	[tilespmem:v1+s16+$0xC0 ss:$0x1] =	vst.idx.msk $0xffff, v8  }
0x154: {  	v11 =	vmovc v10;
	v10 =	vmov v14;
	v7 =	vld.idx.msk [tilespmem:v1+s16+$0x220 ss:$0x1], $0xffff;
	[tilespmem:v1+s16+$0x150 ss:$0x1] =	vst.idx.msk $0xffff, v42;
	v18 =	vmov v6;
	v6 =	vmov v9  }
0x155: {  	v14 =	vmov v45;
	v45 =	vld.idx.msk [tilespmem:v1+s23+$0x110 ss:$0x1], $0xffff;
	v57 =	vmul.f32 v41, v62;
	[tilespmem:$0x1FFA0] =	vst v6;
	v6 =	vmul.f32 v58, v59  }
0x156: {  	v8 =	vld.idx.msk [tilespmem:v1+s23+$0x1A0 ss:$0x1], $0xffff;
	v41 =	vmov v0;
	v0 =	vmul.f32 v4, v3;
	v2 =	vmul.f32 v2, v5  }
0x157: {  	v3 =	vmul.f32 v60, v39;
	v4 =	vadd.f32 v55, v63;
	v55 =	vbroadcast v24, $0x7;
	[tilespmem:v1+s20+$0x10 ss:$0x1] =	vst.idx.msk $0xffff, v6  }
0x158: {  	v39 =	vmov v56;
	[tilespmem:v1+s20+$0x130 ss:$0x1] =	vst.idx.msk $0xffff, v2;
	v56 =	vld [tilespmem:s21+$0x0]  }
0x159: {  	[tilespmem:v1+s16+$0x40 ss:$0x1] =	vst.idx.msk $0xffff, v3;
	v3 =	vmul.f32 v7, v55;
	v7 =	vld [tilespmem:s21+$0x20]  }
0x15a: {  	[tilespmem:v1+s20+$0x1D0 ss:$0x1] =	vst.idx.msk $0xffff, v57;
	v6 =	vld.idx.msk [tilespmem:v1+s23+$0x80 ss:$0x1], $0xffff  }
0x15b: {  	[tilespmem:v1+s20+$0xA0 ss:$0x1] =	vst.idx.msk $0xffff, v0;
	v0 =	vbroadcast v34, $0x5;
	v5 =	vld.idx.msk [tilespmem:v1+s20+$0x1E0 ss:$0x1], $0xffff  }
0x15c: {  	v2 =	vmul.f32 v53, v21;
	v53 =	vld [tilespmem:s21+$0x10];
	v62 =	vmul.f32 $2.000000030e-01, v4  }
0x15d: {  	v54 =	vmul.f32 v54, v20;
	v42 =	vmovc v61;
	v57 =	vbroadcast v35, $0x5;
	v21 =	vmovc v31;
	v9 =	vld [tilespmem:$0x1FFB0];
	vm0 =	vgt.f32 v4, $0.0e+00  }
0x15e: {  	v63 =	vbroadcast v43, $0x3;
	v31 =	vmovc v0;
	v61 =	vld.idx.msk [tilespmem:v1+s23+$0x0 ss:$0x1], $0xffff;
	v0 =	vsel vm0, v4, v62;
	v7 =	vadd.f32 v7, v8  }
0x15f: {  	v62 =	vld.idx.msk [tilespmem:v1+s23+$0x90 ss:$0x1], $0xffff;
	[tilespmem:v1+s16+$0x220 ss:$0x1] =	vst.idx.msk $0xffff, v3;
	v3 =	vmul.f32 $1.442695020e+00, v0;
	v6 =	vadd.f32 v56, v6  }
0x160: {  	v20 =	vmovc v32;
	v32 =	vmov v57;
	v0 =	vld.idx.msk [tilespmem:v1+s23+$0x120 ss:$0x1], $0xffff;
	v5 =	vmul.f32 v5, v63;
	v57 =	vmul.f32 $2.000000030e-01, v7  }
0x161: {  	[tilespmem:v1+s16+$0x230 ss:$0x1] =	vst.idx.msk $0xffff, v24;
	v24 =	vmov v43;
	v43 =	vadd.f32 v53, v45;
	v45 =	vld.idx.msk [tilespmem:v1+s20+$0x20 ss:$0x1], $0xffff;
	v63 =	vmul.f32 $2.000000030e-01, v6  }
0x162: {  	v56 =	vld [tilespmem:$0x1FF90];
	vm14 =	vgt.f32 v6, $0.0e+00  }
0x163: {  	[tilespmem:v1+s15+$0xE0 ss:$0x1] =	vst.idx.msk $0xffff, v2;
	v55 =	vbroadcast v14, $0x6;
	vm15 =	vgt.f32 v7, $0.0e+00;
	v6 =	vsel vm14, v6, v63;
	v63 =	vld [tilespmem:$0x1FF80]  }
0x164: {  	v51 =	vmul.f32 v51, v22;
	[tilespmem:v1+s15+$0x170 ss:$0x1] =	vst.idx.msk $0xffff, v54;
	v7 =	vsel vm15, v7, v57;
	v57 =	vmov v9;
	v9 =	vld [tilespmem:$0x1FFD0]  }
0x165: {  	v22 =	vmov v33;
	[tilespmem:v1+s19+$0x190 ss:$0x1] =	vst.idx.msk $0xffff, v47;
	v33 =	vmov v55;
	v55 =	vld.idx.msk [tilespmem:v1+s16+$0xD0 ss:$0x1], $0xffff;
	(erf) = vpow2.f32 v3  }
0x166: {  	v53 =	vld.idx.msk [tilespmem:v1+s20+$0x140 ss:$0x1], $0xffff;
	[tilespmem:v1+s20+$0x1E0 ss:$0x1] =	vst.idx.msk $0xffff, v5;
	v5 =	vmul.f32 $2.000000030e-01, v43  }
0x167: {  	v60 =	vbroadcast v14, $0x5;
	v47 =	vld.idx.msk [tilespmem:v1+s16+$0x160 ss:$0x1], $0xffff;
	vm1 =	vgt.f32 v43, $0.0e+00;
	v6 =	vmul.f32 $1.442695020e+00, v6;
	[tilespmem:v1+s19+$0x1A0 ss:$0x1] =	vst.idx.msk $0xffff, v56  }
0x168: {  	v58 =	vbroadcast v34, $0x4;
	v59 =	vbroadcast v35, $0x4;
	v8 =	vld.idx.msk [tilespmem:v1+s20+$0xB0 ss:$0x1], $0xffff;
	v43 =	vsel vm1, v43, v5;
	[tilespmem:$0x1FF80] =	vst v57  }
0x169: {  	(erf) = vpow2.f32 v6;
	v6 =	vmul.f32 v52, v45;
	v52 =	vld [tilespmem:$0x1FFF0];
	[tilespmem:v1+s19+$0x110 ss:$0x1] =	vst.idx.msk $0xffff, v63;
	v57 =	vmovc v9;
	v9 =	vmov v15  }
0x16a: {  	v2 =	vbroadcast v35, $0x6;
	v43 =	vmul.f32 $1.442695020e+00, v43;
	s19 =	smov.u32 s30;
	[tilespmem:$0x1FFD0] =	vst v9;
	v9 =	vld [tilespmem:$0x1FFC0]  }
0x16b: {  	[tilespmem:v1+s15+$0x60 ss:$0x1] =	vst.idx.msk $0xffff, v51;
	v54 =	vld.idx.msk [tilespmem:v1+s20+$0x1F0 ss:$0x1], $0xffff;
	v49 =	vmul.f32 v49, v53;
	v7 =	vmul.f32 $1.442695020e+00, v7;
	s30 =	smov.u32 s15;
	s15 =	smov.u32 s16;
	s16 =	smov.u32 s20  }
0x16c: {  	v4 =	vbroadcast v34, $0x6;
	(erf) = vpow2.f32 v43;
	v45 =	vld.idx.msk [tilespmem:v1+s15+$0x50 ss:$0x1], $0xffff;
	[tilespmem:v1+s16+$0x20 ss:$0x1] =	vst.idx.msk $0xffff, v6  }
0x16d: {  	v51 =	vld.idx.msk [tilespmem:v1+s23+$0x1B0 ss:$0x1], $0xffff;
	(erf) = vpow2.f32 v7;
	v6 =	vmul.f32 v50, v8;
	[tilespmem:v1+s16+$0x140 ss:$0x1] =	vst.idx.msk $0xffff, v49  }
0x16e: {  	v5 =	vbroadcast v34, $0x7;
	v56 =	vbroadcast v24, $0x4;
	v43 =	vpop (erf);
	v7 =	vld.idx.msk [tilespmem:v1+s30+$0x180 ss:$0x1], $0xffff;
	[tilespmem:$0x1FFB0] =	vst v57  }
0x16f: {  	v63 =	vbroadcast v35, $0x7;
	v15 =	vmovc v34;
	v34 =	vmov v52;
	v52 =	vld.idx.msk [tilespmem:v1+s30+$0xF0 ss:$0x1], $0xffff;
	[tilespmem:v1+s16+$0xB0 ss:$0x1] =	vst.idx.msk $0xffff, v6;
	v57 =	vmov v9  }
0x170: {  	v8 =	vbroadcast v43, $0x0;
	[tilespmem:$0x1FF90] =	vst v57;
	v57 =	vmul.f32 v54, v56  }
0x171: {  	[tilespmem:$0x1FFC0] =	vst v34;
	v34 =	vmul.f32 v55, v37;
	v9 =	vmovc v10;
	v10 =	vmov v16;
	v16 =	vmov v35;
	v35 =	vld.idx.msk [tilespmem:v1+s16+$0x30 ss:$0x1], $0xffff  }
0x172: {  	v40 =	vmul.f32 v47, v40;
	v8 =	vmul.f32 v8, v51;
	v55 =	vld.idx.msk [tilespmem:v1+s16+$0xC0 ss:$0x1], $0xffff;
	[tilespmem:v1+s16+$0x1F0 ss:$0x1] =	vst.idx.msk $0xffff, v57  }
0x173: {  	v47 =	vmul.f32 v36, v13;
	v50 =	vmul.f32 v45, v38;
	[tilespmem:v1+s15+$0xD0 ss:$0x1] =	vst.idx.msk $0xffff, v34;
	v6 =	vld.idx.msk [tilespmem:v1+s16+$0x200 ss:$0x1], $0xffff  }
0x174: {  	[tilespmem:v1+s23+$0x1B0 ss:$0x1] =	vst.idx.msk $0xffff, v8;
	v7 =	vmul.f32 v7, v25;
	v53 =	vld.idx.msk [tilespmem:v1+s15+$0xE0 ss:$0x1], $0xffff;
	v45 =	vpop (erf);
	v8 =	vmul.f32 v52, v23  }
0x175: {  	v34 =	vpop (erf);
	[tilespmem:$0x1FFF0] =	vst v10;
	v10 =	vmul.f32 v44, v11;
	v57 =	vmul.f32 v46, v12;
	v11 =	vld.idx.msk [tilespmem:v1+s23+$0x1C0 ss:$0x1], $0xffff  }
0x176: {  	[tilespmem:v1+s15+$0x50 ss:$0x1] =	vst.idx.msk $0xffff, v50;
	v56 =	vld.idx.msk [tilespmem:v1+s16+$0x150 ss:$0x1], $0xffff;
	v12 =	vbroadcast v24, $0x5;
	v13 =	vmul.f32 v35, v48;
	v35 =	vpop (erf)  }
0x177: {  	v3 =	vbroadcast v14, $0x7;
	v23 =	vmovc v30;
	v30 =	vmov v4;
	[tilespmem:v1+s15+$0x160 ss:$0x1] =	vst.idx.msk $0xffff, v40;
	v51 =	vld.idx.msk [tilespmem:v1+s15+$0x60 ss:$0x1], $0xffff;
	v4 =	vbroadcast v35, $0x0  }
0x178: {  	v44 =	vld.idx.msk [tilespmem:v1+s30+$0x70 ss:$0x1], $0xffff;
	[tilespmem:v1+s30+$0xF0 ss:$0x1] =	vst.idx.msk $0xffff, v8;
	v6 =	vmul.f32 v6, v12;
	v12 =	vbroadcast v43, $0x1  }
0x179: {  	v37 =	vmov v58;
	v36 =	vbroadcast v45, $0x0;
	v58 =	vbroadcast v45, $0x1;
	v54 =	vld.idx.msk [tilespmem:v1+s15+$0x170 ss:$0x1], $0xffff;
	[tilespmem:v1+s30+$0x180 ss:$0x1] =	vst.idx.msk $0xffff, v7  }
0x17a: {  	v46 =	vld.idx.msk [tilespmem:v1+s30+$0x100 ss:$0x1], $0xffff;
	[tilespmem:v1+s16+$0x30 ss:$0x1] =	vst.idx.msk $0xffff, v13;
	v7 =	vmul.f32 v4, v0;
	v0 =	vmul.f32 v12, v11  }
0x17b: {  	v38 =	vmov v60;
	v52 =	vbroadcast v45, $0x2;
	v8 =	vbroadcast v34, $0x0;
	v60 =	vld.idx.msk [tilespmem:v1+s16+$0x40 ss:$0x1], $0xffff;
	[tilespmem:v1+s16+$0x200 ss:$0x1] =	vst.idx.msk $0xffff, v6  }
0x17c: {  	s22 =	sadd.s32 $0x4, s22;
	v25 =	vmovc v29;
	v29 =	vmov v2;
	v50 =	vbroadcast v34, $0x2;
	v2 =	vmul.f32 v36, v61;
	[tilespmem:v1+s23+$0x1C0 ss:$0x1] =	vst.idx.msk $0xffff, v0;
	v0 =	vld [tilespmem:$0x1FFE0]  }
0x17d: {  	p1 =	slt.u32 s22, $0x4C;
	v48 =	vbroadcast v45, $0x3;
	[tilespmem:v1+s19+$0x70 ss:$0x1] =	vst.idx.msk $0xffff, v10;
	v6 =	vmul.f32 v8, v62;
	v8 =	vld.idx.msk [tilespmem:v1+s16+$0x210 ss:$0x1], $0xffff  }
.Ltmp1:
0x17e: {  	v36 =	vld.idx.msk [tilespmem:v1+s30+$0x190 ss:$0x1], $0xffff;
	v49 =	vbroadcast v35, $0x2;
	v61 =	vbroadcast v35, $0x3;
	[tilespmem:v1+s23+$0x0 ss:$0x1] =	vst.idx.msk $0xffff, v2;
	(pc) =	sbr.rel @p1 .LBB2_5-.Ltmp1, $4  }
0x17f: {  	v40 =	vmov v59;
	v4 =	vbroadcast v34, $0x1;
	v2 =	vbroadcast v35, $0x1;
	v59 =	vld.idx.msk [tilespmem:v1+s23+$0x10 ss:$0x1], $0xffff;
	[tilespmem:v1+s19+$0x80 ss:$0x1] =	vst.idx.msk $0xffff, v18  }
0x180: {  	v10 =	vmovc v19;
	v19 =	vmov v27;
	v27 =	vmov v3;
	[tilespmem:v1+s23+$0x90 ss:$0x1] =	vst.idx.msk $0xffff, v6;
	v6 =	vbroadcast v24, $0x6;
	v62 =	vld.idx.msk [tilespmem:v1+s23+$0x1D0 ss:$0x1], $0xffff  }
0x181: {  	s20 =	smov.u32 s23;
	[tilespmem:v1+s23+$0x120 ss:$0x1] =	vst.idx.msk $0xffff, v7;
	v11 =	vmovc v17;
	v17 =	vmov v28;
	v3 =	vld.idx.msk [tilespmem:v1+s23+$0xA0 ss:$0x1], $0xffff;
	v12 =	vmov v0;
	v0 =	vmov v26  }
0x182: {  	v28 =	vmovc v63;
	s23 =	sadd.s32 $0x240, s23;
	v6 =	vmul.f32 v8, v6;
	v26 =	vmov v5;
	v5 =	vld.idx.msk [tilespmem:v1+s20+$0x130 ss:$0x1], $0xffff;
	[tilespmem:$0x1FFE0] =	vst v0;
	v0 =	vbroadcast v34, $0x3  }
0x183: {  	v7 =	vbroadcast v43, $0x2;
	_ =	sdelay $0x1  }
0x184: {  	v7 =	vmul.f32 v7, v62;
	_ =	sdelay $0x1  }
0x185: {  	[tilespmem:v1+s20+$0x1D0 ss:$0x1] =	vst.idx.msk $0xffff, v7  }
0x186: {  	v7 =	vld.idx.msk [tilespmem:v1+s20+$0x1E0 ss:$0x1], $0xffff  }
0x187: {  	v8 =	vmul.f32 v55, v41;
	[tilespmem:v1+s19+$0x100 ss:$0x1] =	vst.idx.msk $0xffff, v57  }
0x188: {  	v57 =	vmul.f32 v56, v42;
	[tilespmem:v1+s16+$0x210 ss:$0x1] =	vst.idx.msk $0xffff, v6  }
0x189: {  	v18 =	vbroadcast v43, $0x3;
	v41 =	vmul.f32 v60, v39;
	[tilespmem:v1+s16+$0xC0 ss:$0x1] =	vst.idx.msk $0xffff, v8  }
0x18a: {  	v53 =	vmul.f32 v53, v21;
	[tilespmem:v1+s16+$0x150 ss:$0x1] =	vst.idx.msk $0xffff, v57  }
0x18b: {  	[tilespmem:v1+s16+$0x40 ss:$0x1] =	vst.idx.msk $0xffff, v41;
	v62 =	vmul.f32 v7, v18  }
0x18c: {  	v63 =	vmul.f32 v58, v59;
	v13 =	vld.idx.msk [tilespmem:v1+s16+$0x220 ss:$0x1], $0xffff;
	[tilespmem:v1+s15+$0xE0 ss:$0x1] =	vst.idx.msk $0xffff, v53  }
0x18d: {  	v59 =	vmul.f32 v51, v22;
	[tilespmem:v1+s20+$0x1E0 ss:$0x1] =	vst.idx.msk $0xffff, v62  }
0x18e: {  	v57 =	vmul.f32 v54, v20;
	[tilespmem:v1+s20+$0x10 ss:$0x1] =	vst.idx.msk $0xffff, v63;
	v18 =	vld.idx.msk [tilespmem:v1+s20+$0x1F0 ss:$0x1], $0xffff  }
0x18f: {  	v42 =	vbroadcast v24, $0x7;
	v3 =	vmul.f32 v4, v3;
	[tilespmem:v1+s15+$0x60 ss:$0x1] =	vst.idx.msk $0xffff, v59  }
0x190: {  	v2 =	vmul.f32 v2, v5;
	[tilespmem:v1+s15+$0x170 ss:$0x1] =	vst.idx.msk $0xffff, v57  }
0x191: {  	v55 =	vbroadcast v43, $0x4;
	[tilespmem:v1+s20+$0xA0 ss:$0x1] =	vst.idx.msk $0xffff, v3;
	v3 =	vmul.f32 v13, v42  }
0x192: {  	[tilespmem:v1+s20+$0x130 ss:$0x1] =	vst.idx.msk $0xffff, v2  }
0x193: {  	[tilespmem:v1+s16+$0x220 ss:$0x1] =	vst.idx.msk $0xffff, v3;
	v56 =	vmul.f32 v18, v55  }
0x194: {  	v58 =	vld.idx.msk [tilespmem:v1+s20+$0x20 ss:$0x1], $0xffff;
	[tilespmem:v1+s16+$0x230 ss:$0x1] =	vst.idx.msk $0xffff, v24  }
0x195: {  	v60 =	vld.idx.msk [tilespmem:v1+s20+$0xB0 ss:$0x1], $0xffff;
	[tilespmem:v1+s20+$0x1F0 ss:$0x1] =	vst.idx.msk $0xffff, v56  }
0x196: {  	v6 =	vld [tilespmem:$0x1FF80]  }
0x197: {  	v63 =	vld.idx.msk [tilespmem:v1+s20+$0x140 ss:$0x1], $0xffff  }
0x198: {  	v21 =	vld.idx.msk [tilespmem:v1+s16+$0x160 ss:$0x1], $0xffff  }
0x199: {  	v62 =	vld.idx.msk [tilespmem:v1+s20+$0x200 ss:$0x1], $0xffff  }
0x19a: {  	v39 =	vld.idx.msk [tilespmem:v1+s16+$0x50 ss:$0x1], $0xffff;
	v4 =	vmul.f32 v52, v58;
	[tilespmem:v1+s19+$0x190 ss:$0x1] =	vst.idx.msk $0xffff, v47  }
0x19b: {  	v13 =	vld.idx.msk [tilespmem:v1+s16+$0xD0 ss:$0x1], $0xffff;
	v2 =	vmul.f32 v50, v60;
	[tilespmem:v1+s19+$0x110 ss:$0x1] =	vst.idx.msk $0xffff, v6  }
0x19c: {  	v22 =	vbroadcast v43, $0x5;
	v5 =	vmul.f32 v49, v63;
	v24 =	vld [tilespmem:$0x1FF90];
	[tilespmem:v1+s20+$0x20 ss:$0x1] =	vst.idx.msk $0xffff, v4  }
0x19d: {  	v41 =	vld.idx.msk [tilespmem:v1+s15+$0xF0 ss:$0x1], $0xffff;
	v7 =	vmul.f32 v21, v40;
	[tilespmem:v1+s20+$0xB0 ss:$0x1] =	vst.idx.msk $0xffff, v2  }
0x19e: {  	v47 =	vld.idx.msk [tilespmem:v1+s15+$0x180 ss:$0x1], $0xffff;
	v3 =	vmul.f32 v62, v22;
	[tilespmem:v1+s20+$0x140 ss:$0x1] =	vst.idx.msk $0xffff, v5  }
0x19f: {  	v50 =	vmul.f32 v39, v38;
	[tilespmem:v1+s16+$0x160 ss:$0x1] =	vst.idx.msk $0xffff, v7  }
0x1a0: {  	v55 =	vmul.f32 v44, v10;
	v42 =	vld.idx.msk [tilespmem:v1+s20+$0x30 ss:$0x1], $0xffff;
	[tilespmem:v1+s20+$0x200 ss:$0x1] =	vst.idx.msk $0xffff, v3  }
0x1a1: {  	v6 =	vmul.f32 v13, v37;
	[tilespmem:v1+s16+$0x50 ss:$0x1] =	vst.idx.msk $0xffff, v50;
	v49 =	vld.idx.msk [tilespmem:v1+s20+$0x210 ss:$0x1], $0xffff  }
0x1a2: {  	v4 =	vmul.f32 v41, v23;
	[tilespmem:v1+s30+$0x70 ss:$0x1] =	vst.idx.msk $0xffff, v55;
	v54 =	vld.idx.msk [tilespmem:v1+s20+$0x150 ss:$0x1], $0xffff  }
0x1a3: {  	[tilespmem:v1+s16+$0xD0 ss:$0x1] =	vst.idx.msk $0xffff, v6;
	v3 =	vmul.f32 v47, v25;
	v52 =	vld.idx.msk [tilespmem:v1+s20+$0xC0 ss:$0x1], $0xffff  }
0x1a4: {  	v51 =	vbroadcast v43, $0x6;
	[tilespmem:v1+s15+$0xF0 ss:$0x1] =	vst.idx.msk $0xffff, v4  }
0x1a5: {  	v57 =	vld.idx.msk [tilespmem:v1+s16+$0xE0 ss:$0x1], $0xffff;
	[tilespmem:v1+s15+$0x180 ss:$0x1] =	vst.idx.msk $0xffff, v3;
	v2 =	vmul.f32 v42, v48  }
0x1a6: {  	v62 =	vld.idx.msk [tilespmem:v1+s16+$0x60 ss:$0x1], $0xffff;
	[tilespmem:v1+s19+$0x1A0 ss:$0x1] =	vst.idx.msk $0xffff, v24;
	v53 =	vmul.f32 v49, v51  }
0x1a7: {  	v58 =	vmul.f32 v46, v12;
	v5 =	vmul.f32 v54, v61;
	v61 =	vld.idx.msk [tilespmem:v1+s16+$0x170 ss:$0x1], $0xffff;
	[tilespmem:v1+s20+$0x30 ss:$0x1] =	vst.idx.msk $0xffff, v2  }
0x1a8: {  	v0 =	vmul.f32 v52, v0;
	v56 =	vld.idx.msk [tilespmem:v1+s20+$0x40 ss:$0x1], $0xffff;
	[tilespmem:v1+s20+$0x210 ss:$0x1] =	vst.idx.msk $0xffff, v53  }
0x1a9: {  	v8 =	vld [tilespmem:$0x1FFA0];
	[tilespmem:v1+s30+$0x100 ss:$0x1] =	vst.idx.msk $0xffff, v58  }
0x1aa: {  	v2 =	vmul.f32 v57, v31;
	v59 =	vld.idx.msk [tilespmem:v1+s20+$0x220 ss:$0x1], $0xffff;
	[tilespmem:v1+s20+$0xC0 ss:$0x1] =	vst.idx.msk $0xffff, v0  }
0x1ab: {  	[tilespmem:v1+s20+$0x150 ss:$0x1] =	vst.idx.msk $0xffff, v5;
	v0 =	vmul.f32 v62, v33  }
0x1ac: {  	v60 =	vbroadcast v45, $0x4;
	[tilespmem:v1+s16+$0xE0 ss:$0x1] =	vst.idx.msk $0xffff, v2;
	v13 =	vmul.f32 v61, v32  }
0x1ad: {  	v63 =	vbroadcast v43, $0x7;
	[tilespmem:v1+s16+$0x60 ss:$0x1] =	vst.idx.msk $0xffff, v0  }
0x1ae: {  	v10 =	vld.idx.msk [tilespmem:v1+s20+$0xD0 ss:$0x1], $0xffff;
	[tilespmem:v1+s16+$0x170 ss:$0x1] =	vst.idx.msk $0xffff, v13;
	v3 =	vmul.f32 v56, v60  }
0x1af: {  	v12 =	vld.idx.msk [tilespmem:v1+s20+$0x160 ss:$0x1], $0xffff;
	[tilespmem:v1+s30+$0x80 ss:$0x1] =	vst.idx.msk $0xffff, v8;
	v8 =	vmul.f32 v59, v63  }
0x1b0: {  	[tilespmem:v1+s20+$0x40 ss:$0x1] =	vst.idx.msk $0xffff, v3  }
0x1b1: {  	v18 =	vbroadcast v34, $0x4;
	v23 =	vld.idx.msk [tilespmem:v1+s16+$0xF0 ss:$0x1], $0xffff;
	[tilespmem:v1+s20+$0x220 ss:$0x1] =	vst.idx.msk $0xffff, v8  }
0x1b2: {  	v20 =	vbroadcast v35, $0x4;
	v21 =	vld.idx.msk [tilespmem:v1+s20+$0x50 ss:$0x1], $0xffff;
	[tilespmem:v1+s20+$0x230 ss:$0x1] =	vst.idx.msk $0xffff, v43  }
0x1b3: {  	v22 =	vmul.f32 v10, v18;
	v24 =	vld [tilespmem:$0x1FFB0]  }
0x1b4: {  	v25 =	vld.idx.msk [tilespmem:v1+s16+$0x180 ss:$0x1], $0xffff;
	v2 =	vmul.f32 v12, v20  }
0x1b5: {  	v31 =	vmul.f32 v36, v11;
	v33 =	vld.idx.msk [tilespmem:v1+s15+$0x70 ss:$0x1], $0xffff;
	v32 =	vbroadcast v45, $0x5;
	[tilespmem:v1+s20+$0xD0 ss:$0x1] =	vst.idx.msk $0xffff, v22  }
0x1b6: {  	[tilespmem:v1+s20+$0x160 ss:$0x1] =	vst.idx.msk $0xffff, v2;
	v36 =	vld.idx.msk [tilespmem:v1+s20+$0xE0 ss:$0x1], $0xffff  }
0x1b7: {  	[tilespmem:v1+s30+$0x190 ss:$0x1] =	vst.idx.msk $0xffff, v31;
	v5 =	vmul.f32 v21, v32  }
0x1b8: {  	v3 =	vmul.f32 v23, v30;
	[tilespmem:v1+s30+$0x110 ss:$0x1] =	vst.idx.msk $0xffff, v24  }
0x1b9: {  	v39 =	vbroadcast v34, $0x5;
	v4 =	vmul.f32 v25, v29;
	v38 =	vld [tilespmem:$0x1FFC0];
	[tilespmem:v1+s20+$0x50 ss:$0x1] =	vst.idx.msk $0xffff, v5  }
0x1ba: {  	v0 =	vmul.f32 v33, v19;
	[tilespmem:v1+s16+$0xF0 ss:$0x1] =	vst.idx.msk $0xffff, v3  }
0x1bb: {  	[tilespmem:v1+s16+$0x180 ss:$0x1] =	vst.idx.msk $0xffff, v4;
	v2 =	vmul.f32 v36, v39  }
0x1bc: {  	v37 =	vld.idx.msk [tilespmem:v1+s20+$0x170 ss:$0x1], $0xffff;
	[tilespmem:v1+s15+$0x70 ss:$0x1] =	vst.idx.msk $0xffff, v0  }
0x1bd: {  	v40 =	vld.idx.msk [tilespmem:v1+s15+$0x100 ss:$0x1], $0xffff;
	[tilespmem:v1+s20+$0xE0 ss:$0x1] =	vst.idx.msk $0xffff, v2  }
0x1be: {  	v42 =	vld.idx.msk [tilespmem:v1+s20+$0x60 ss:$0x1], $0xffff;
	[tilespmem:v1+s30+$0x1A0 ss:$0x1] =	vst.idx.msk $0xffff, v38  }
0x1bf: {  	v41 =	vbroadcast v35, $0x5;
	v47 =	vld [tilespmem:$0x1FFE0];
	_ =	sdelay $0x1  }
0x1c0: {  	v46 =	vbroadcast v45, $0x6;
	v43 =	vmul.f32 v37, v41;
	_ =	sdelay $0x1  }
0x1c1: {  	[tilespmem:v1+s20+$0x170 ss:$0x1] =	vst.idx.msk $0xffff, v43;
	v2 =	vmul.f32 v42, v46  }
0x1c2: {  	v44 =	vld.idx.msk [tilespmem:v1+s15+$0x190 ss:$0x1], $0xffff;
	[tilespmem:v1+s15+$0x80 ss:$0x1] =	vst.idx.msk $0xffff, v9;
	v5 =	vmul.f32 v40, v47  }
0x1c3: {  	v48 =	vld.idx.msk [tilespmem:v1+s20+$0xF0 ss:$0x1], $0xffff;
	[tilespmem:v1+s20+$0x60 ss:$0x1] =	vst.idx.msk $0xffff, v2  }
0x1c4: {  	v49 =	vld.idx.msk [tilespmem:v1+s20+$0x180 ss:$0x1], $0xffff;
	[tilespmem:v1+s15+$0x100 ss:$0x1] =	vst.idx.msk $0xffff, v5  }
0x1c5: {  	v53 =	vld [tilespmem:$0x1FFD0]  }
0x1c6: {  	v50 =	vld.idx.msk [tilespmem:v1+s16+$0x70 ss:$0x1], $0xffff  }
0x1c7: {  	v51 =	vbroadcast v34, $0x6;
	v4 =	vmul.f32 v44, v17;
	v54 =	vld.idx.msk [tilespmem:v1+s16+$0x100 ss:$0x1], $0xffff  }
0x1c8: {  	v52 =	vbroadcast v35, $0x6;
	v55 =	vld.idx.msk [tilespmem:v1+s16+$0x190 ss:$0x1], $0xffff  }
0x1c9: {  	v0 =	vmul.f32 v48, v51;
	[tilespmem:v1+s15+$0x190 ss:$0x1] =	vst.idx.msk $0xffff, v4  }
0x1ca: {  	v2 =	vmul.f32 v49, v52;
	[tilespmem:v1+s15+$0x110 ss:$0x1] =	vst.idx.msk $0xffff, v53  }
0x1cb: {  	v56 =	vmul.f32 v50, v27;
	v4 =	vld [tilespmem:$0x1FFF0];
	[tilespmem:v1+s20+$0xF0 ss:$0x1] =	vst.idx.msk $0xffff, v0  }
0x1cc: {  	v58 =	vmul.f32 v54, v26;
	v57 =	vld.idx.msk [tilespmem:v1+s20+$0x70 ss:$0x1], $0xffff;
	[tilespmem:v1+s20+$0x180 ss:$0x1] =	vst.idx.msk $0xffff, v2  }
0x1cd: {  	v3 =	vmul.f32 v55, v28;
	[tilespmem:v1+s16+$0x70 ss:$0x1] =	vst.idx.msk $0xffff, v56  }
0x1ce: {  	[tilespmem:v1+s16+$0x100 ss:$0x1] =	vst.idx.msk $0xffff, v58  }
0x1cf: {  	v60 =	vbroadcast v45, $0x7;
	[tilespmem:v1+s16+$0x190 ss:$0x1] =	vst.idx.msk $0xffff, v3;
	v59 =	vld.idx.msk [tilespmem:v1+s20+$0x100 ss:$0x1], $0xffff  }
0x1d0: {  	[tilespmem:v1+s16+$0x80 ss:$0x1] =	vst.idx.msk $0xffff, v14;
	v61 =	vld.idx.msk [tilespmem:v1+s20+$0x190 ss:$0x1], $0xffff  }
0x1d1: {  	v0 =	vmul.f32 v57, v60;
	[tilespmem:v1+s16+$0x110 ss:$0x1] =	vst.idx.msk $0xffff, v15  }
0x1d2: {  	v62 =	vbroadcast v34, $0x7;
	[tilespmem:v1+s16+$0x1A0 ss:$0x1] =	vst.idx.msk $0xffff, v16  }
0x1d3: {  	v63 =	vbroadcast v35, $0x7;
	[tilespmem:v1+s20+$0x70 ss:$0x1] =	vst.idx.msk $0xffff, v0  }
0x1d4: {  	[tilespmem:v1+s20+$0x80 ss:$0x1] =	vst.idx.msk $0xffff, v45;
	v2 =	vmul.f32 v59, v62  }
0x1d5: {  	[tilespmem:v1+s15+$0x1A0 ss:$0x1] =	vst.idx.msk $0xffff, v4;
	v0 =	vmul.f32 v61, v63  }
0x1d6: {  	s14 =	smul.u32 $0x140, s14;
	p1 =	sne.s32 s17, $0x7D;
	[tilespmem:v1+s20+$0x100 ss:$0x1] =	vst.idx.msk $0xffff, v2  }
.Ltmp2:
0x1d7: {  	[tilespmem:v1+s20+$0x190 ss:$0x1] =	vst.idx.msk $0xffff, v0;
	(pc) =	sbr.rel @p1 .LBB2_4-.Ltmp2, $4  }
0x1d8: {  	s14 =	sshrl.u32 s14, $0x2;
	[tilespmem:v1+s20+$0x110 ss:$0x1] =	vst.idx.msk $0xffff, v34  }
0x1d9: {  	s14 =	sadd.s32 $0x16120, s14;
	[tilespmem:v1+s20+$0x1A0 ss:$0x1] =	vst.idx.msk $0xffff, v35  }
0x1da: {  	[spmem:s3] =	stream.indirect.scatter.add.f32 [tilespmem:s18], [sflag:$0x3], $0x90, s14, s0, $0xb8;
	[tilespmem:$0x1F8B0] =	vst v63  }
0x1db: {  	s13 =	sadd.s32 $0x2D00, s13;
	s29 =	sadd.s32 $0x500, s29;
	s14 =	smov.u32 s17  }
0x1dc: {  	_ =	swait.ge [sflag:s28], $0x2D00  }
0x1dd: {  	[sflag:s28] =	ssyncset.done $0x0  }
0x1de: {  	[sflag:s28] =	ssyncadd.s32 $0xFFFFD300  }
0x1df: {  	_ =	swait.ge [sflag:s28], $0x2D00  }
0x1e0: {  	[sflag:s28] =	ssyncset.done $0x0  }
0x1e1: {  	s13 =	stileid.u32;
	[sflag:s28] =	ssyncadd.s32 $0xFFFFD300  }
0x1e2: {  	s13 =	sshll.u32 s13, $0x6;
	[bflag:$0x0] =	sbarrier.arrive $0xFFFF  }
0x1e3: {  	s13 =	sor.u32 $0x1C05, s13;
	s14 =	rddreg [dreg:$0x9]  }
0x1e4: {  	[hbm:s14], [sflag:s13] =	dma.local [spmem:s25], $0x2BE0  }
0x1e5: {  	_ =	swait.ge [sflag:s10], $0x2BE0  }
0x1e6: {  	[sflag:s10] =	ssyncset.done $0x0  }
0x1e7: {  	s14 =	sshrl.u32 @!p0 s11, $0x3;
	s15 =	rddreg [dreg:$0xa];
	[sflag:s10] =	ssyncadd.s32 $0xFFFFD420  }
0x1e8: {  	[hbm:s15], [sflag:s13] =	dma.local @!p0 [spmem:s14], $0x120  }
0x1e9: {  	s13 =	simm.s32 @!p0 $0x5  }
0x1ea: {  	_ =	swait.ge @!p0 [sflag:s13], $0x120  }
0x1eb: {  	s12 =	sadd.s32 $0x1, s12;
	s30 =	rddreg [dreg:$0xb]  }
0x1ec: {  	p1 =	sne.s32 s12, s30  }
.Ltmp3:
0x1ed: {  	_ = 	snop;
	(pc) =	sbr.rel @p1 .LBB2_1-.Ltmp3, $3  }
0x1ee: {  	_ =	sdelay $0x1  }
0x1ef: {  	[sflag:s13] =	ssyncset.done @!p0 $0x0  }
0x1f0: {  	v0 =	vimm.f32 $0.0e+00;
	[sflag:s13] =	ssyncadd.s32 @!p0 $0xFFFFFEE0  }
0x1f1: {  	_ =	sfence.sel $0x180000  }
0x1f2: {  	[bflag:$0x0] =	sbarrier.arrive $0xFFFF  }
0x1f3: {  	_ =	strace $0x90000047  }
0x1f4: {  	[bflag:$0x2] =	sbarrier.arrive $0xFFFF  }
0x1f5: {  	s0 =	rddreg [dreg:$0x3]  }
0x1f6: {  	s0 =	sadd.s32 @!p0 $0x100000, s0  }
0x1f7: {  	[sflag:s0] =	ssyncadd.tile.s32 @!p0 $0x1;
	_ =	shalt  }
.Lfunc_end2:
_tile_overlayer_lowered:
.L_overlay_start_2:
0x1f8: {  	(tag) =	ssettag $0x2  }
0x1f9: {  	s0 =	rddreg [dreg:$0x0];
	s2 =	stileid.u32  }
0x1fa: {  	s1 =	rddreg [dreg:$0x1];
	p0 =	sne.s32 s2, $0x0  }
0x1fb: {  	s3 =	rddreg [dreg:$0x2];
	[bflag:$0x3] =	sbarrier.arrive $0xFFFF;
	s2 =	simm.s32 @!p0 $0x1C05  }
0x1fc: {  	[timem:s3], [sflag:s2] =	dma.local @!p0 [hbm:s0], s1  }
0x1fd: {  	s0 =	simm.s32 @!p0 $0x5  }
0x1fe: {  	_ =	swait.ge @!p0 [sflag:s0], s1  }
0x1ff: {  	s1 =	ssub.s32 @!p0 $0x0, s1;
	[sflag:s0] =	ssyncset.done @!p0 $0x0  }
0x200: {  	[sflag:s0] =	ssyncadd.s32 @!p0 s1  }
0x201: {  	[bflag:$0x3] =	sbarrier.arrive $0xFFFF  }
0x202: {  	_ =	shalt  }

</sc_bundles>
